<compile_context>
chip_gen: v7x
topology: tpu7x:2x2x1
jax: 0.10.2.dev20260603
libtpu: 0.0.44.dev20260713+nightly
codegen_flags: <defaults>
</compile_context>

<pallas_src>
import functools
import jax
import jax.numpy as jnp
from jax import lax
from jax.experimental import pallas as pl
from jax.experimental.pallas import tpu as pltpu
from jax.experimental.pallas import tpu_sc as plsc

G, P, D, NH, NCLS = 50, 200, 128, 128, 10
EPG = 6400
LAMB = 1.0
K1 = 100
K2 = 50
N = G * P
E = G * EPG
NPF = N * P


_SC_CORES = 2
_SC_TILES = 16
_NW = _SC_CORES * _SC_TILES
_G2 = G - _NW
_PP = P * P


def _sc_at_body(src_hbm, dst_hbm, zero_hbm, out_hbm, src_v, dst_v, a_v):
    c = lax.axis_index("c")
    s = lax.axis_index("s")
    wid = s * _SC_CORES + c
    two = wid < _G2
    g0 = jnp.where(two, 2 * wid, _G2 + wid)

    ones = jnp.full((16,), 1.0, jnp.float32)

    for i in range(2):
        @pl.when((i == 0) | two)
        def _():
            g = g0 + i
            pltpu.sync_copy(zero_hbm.at[pl.ds(0, _PP)], a_v.at[pl.ds(0, _PP)])
            ebase = g * EPG
            pltpu.sync_copy(src_hbm.at[pl.ds(ebase, EPG)],
                            src_v.at[pl.ds(0, EPG)])
            pltpu.sync_copy(dst_hbm.at[pl.ds(ebase, EPG)],
                            dst_v.at[pl.ds(0, EPG)])

            off = g * (P * (P + 1))

            def _chunk(j, carry):
                sv = src_v[pl.ds(j * 16, 16)]
                dv = dst_v[pl.ds(j * 16, 16)]
                fi = dv * P + sv - off
                plsc.addupdate_scatter(a_v, [fi], ones)
                return carry

            lax.fori_loop(0, EPG // 16, _chunk, 0, unroll=8)

            pltpu.sync_copy(a_v.at[pl.ds(0, _PP)],
                            out_hbm.at[pl.ds(g * _PP, _PP)])


def _sc_build_at(src, dst, zeros_init):
    mesh = plsc.VectorSubcoreMesh(core_axis_name="c", subcore_axis_name="s")
    run = functools.partial(
        pl.kernel,
        mesh=mesh,
        compiler_params=pltpu.CompilerParams(needs_layout_passes=False),
        out_type=jax.ShapeDtypeStruct((NPF,), jnp.float32),
        scratch_types=[
            pltpu.VMEM((EPG,), jnp.int32),
            pltpu.VMEM((EPG,), jnp.int32),
            pltpu.VMEM((_PP,), jnp.float32),
        ],
    )(_sc_at_body)
    return run(src, dst, zeros_init)




def _t_col_to_row(colv, n):
    eye = (lax.broadcasted_iota(jnp.int32, (n, n), 0)
           == lax.broadcasted_iota(jnp.int32, (n, n), 1)).astype(colv.dtype)
    return jnp.sum(eye * colv, axis=0, keepdims=True)


def _perm_matrix(score_col, n, k):
    s_row = _t_col_to_row(score_col, n)
    gt = (s_row > score_col).astype(jnp.float32)
    jlt = (lax.broadcasted_iota(jnp.int32, (n, n), 1)
           < lax.broadcasted_iota(jnp.int32, (n, n), 0))
    eqm = ((s_row == score_col) & jlt).astype(jnp.float32)
    rank = jnp.sum(gt + eqm, axis=1, keepdims=True)
    rank_row = _t_col_to_row(rank, n)
    kio = lax.broadcasted_iota(jnp.int32, (k, n), 0).astype(jnp.float32)
    pm = (kio == rank_row).astype(jnp.float32)
    sv = jnp.sum(pm * s_row, axis=1, keepdims=True)
    return pm, sv


def _dot(a, b):
    return jnp.dot(a, b, preferred_element_type=jnp.float32)


def _dot_nt(a, b):
    return lax.dot_general(a, b, (((1,), (1,)), ((), ())),
                           preferred_element_type=jnp.float32)


def _split3(x):
    b0 = x.astype(jnp.bfloat16)
    r = x - b0.astype(jnp.float32)
    b1 = r.astype(jnp.bfloat16)
    b2 = (r - b1.astype(jnp.float32)).astype(jnp.bfloat16)
    return (b0, b1, b2)


def _mm3s(a_ex, bs):
    ab = a_ex.astype(jnp.bfloat16)
    return (_dot(ab, bs[0]) + _dot(ab, bs[1])) + _dot(ab, bs[2])


def _mm3(a_ex, b):
    return _mm3s(a_ex, _split3(b))


def _mm3_vt(a, b_ex):
    a0, a1, a2 = _split3(a)
    bb = b_ex.astype(jnp.bfloat16)
    return (_dot_nt(a0, bb) + _dot_nt(a1, bb)) + _dot_nt(a2, bb)


def _mm1_nt(a_ex, b_ex):
    return _dot_nt(a_ex.astype(jnp.bfloat16), b_ex.astype(jnp.bfloat16))


def _mm_bf(a, b):
    return jnp.dot(a.astype(jnp.bfloat16), b.astype(jnp.bfloat16),
                   preferred_element_type=jnp.float32)


def _mm_nt_bf(a, b):
    return lax.dot_general(a.astype(jnp.bfloat16), b.astype(jnp.bfloat16),
                           (((1,), (1,)), ((), ())),
                           preferred_element_type=jnp.float32)




def _tc_body(at_ref, x_ref, w1_ref, b1_ref, a1a_ref, a1b_ref, gamma_ref,
             beta_ref, w2_ref, b2_ref, a2a_ref, a2b_ref, w3_ref, b3_ref,
             lw1_ref, lb1_ref, lw2_ref, lb2_ref, lw3_ref, lb3_ref,
             x1_ref, x_out_ref, out_ref,
             x1_s, xs_s, adj1_s, r1_s, hh_s, bnsum_s, bnsq_s):
    ph = pl.program_id(0)
    gg = pl.program_id(1)

    @pl.when(ph == 0)
    def _phase0():
        @pl.when(gg == 0)
        def _():
            bnsum_s[...] = jnp.zeros_like(bnsum_s)
            bnsq_s[...] = jnp.zeros_like(bnsq_s)

        for i in range(2):
            g = 2 * gg + i
            at = at_ref[i]
            x = x_ref[i]

            indeg = jnp.sum(at, axis=1, keepdims=True)
            dinv = lax.rsqrt(indeg + 1.0)
            h = dinv * _mm3(at, x * dinv) + dinv * dinv * x
            x1 = jnp.maximum(_mm_bf(h, w1_ref[...]) + b1_ref[...], 0.0)
            x1_s[g] = x1

            degn = jnp.maximum(indeg, 1.0)
            x1s = _split3(x1)
            neigh = _mm3s(at, x1s) / degn
            score = jnp.sum(jnp.abs(x1 - neigh), axis=1, keepdims=True)

            pm, sv = _perm_matrix(score, P, K1)
            xs = _mm3s(pm, x1s) * jnp.tanh(sv)
            xs_s[g] = xs

            u = _mm1_nt(pm, at)
            asel = _mm1_nt(u, pm)

            s_i = _mm_bf(xs, a1a_ref[...])
            s_j = _mm_nt_bf(a1b_ref[...], xs)
            e1 = jnp.maximum(s_i + s_j, 0.0) + LAMB * asel
            m = jnp.max(e1, axis=1, keepdims=True)
            ex = jnp.exp(e1 - m)
            adj1_s[g] = ex / jnp.sum(ex, axis=1, keepdims=True)

            r1_s[g, :, 0:NH] = jnp.max(xs, axis=0, keepdims=True)
            r1_s[g, :, NH:2 * NH] = jnp.mean(xs, axis=0, keepdims=True)

            bnsum_s[...] += jnp.sum(xs, axis=0, keepdims=True)
            bnsq_s[...] += jnp.sum(xs * xs, axis=0, keepdims=True)

    @pl.when(ph == 1)
    def _phase1():
        inv_n = 1.0 / (G * K1)
        mu = bnsum_s[...] * inv_n
        var = bnsq_s[...] * inv_n - mu * mu
        rstd = lax.rsqrt(var + 1e-5)

        for i in range(2):
            g = 2 * gg + i
            x1_ref[i] = x1_s[g]
            xs = xs_s[g]
            adj1 = adj1_s[g]
            xb = (xs - mu) * rstd * gamma_ref[...] + beta_ref[...]

            x2 = jnp.maximum(
                _mm_bf(_mm_bf(adj1, xb), w2_ref[...]) + b2_ref[...], 0.0)
            neigh2 = _mm_bf(adj1, x2)
            score2 = jnp.sum(jnp.abs(x2 - neigh2), axis=1, keepdims=True)

            pm2, sv2 = _perm_matrix(score2, K1, K2)
            xs2 = _mm3(pm2, x2) * jnp.tanh(sv2)

            u2 = _mm3(pm2, adj1)
            a1sel = _mm3_vt(u2, pm2)

            t_i = _mm_bf(xs2, a2a_ref[...])
            t_j = _mm_nt_bf(a2b_ref[...], xs2)
            e2 = jnp.maximum(t_i + t_j, 0.0) + LAMB * a1sel
            m2 = jnp.max(e2, axis=1, keepdims=True)
            ex2 = jnp.exp(e2 - m2)
            adj2 = ex2 / jnp.sum(ex2, axis=1, keepdims=True)

            x3 = jnp.maximum(
                _mm_bf(_mm_bf(adj2, xs2), w3_ref[...]) + b3_ref[...], 0.0)

            r2 = jnp.concatenate([jnp.max(xs2, axis=0, keepdims=True),
                                  jnp.mean(xs2, axis=0, keepdims=True)],
                                 axis=1)
            r3 = jnp.concatenate([jnp.max(x3, axis=0, keepdims=True),
                                  jnp.mean(x3, axis=0, keepdims=True)],
                                 axis=1)
            hh_s[g] = (jnp.maximum(r1_s[g], 0.0) + jnp.maximum(r2, 0.0)
                       + jnp.maximum(r3, 0.0))

        @pl.when(gg == G // 2 - 1)
        def _head():
            hh_all = jnp.squeeze(hh_s[...], axis=1)
            hh = jnp.maximum(_mm_bf(hh_all, lw1_ref[...]) + lb1_ref[...],
                             0.0)
            xo = jnp.maximum(_mm_bf(hh, lw2_ref[...]) + lb2_ref[...], 0.0)
            x_out_ref[...] = xo
            lg = _mm_bf(xo, lw3_ref[...]) + lb3_ref[...]
            z = lg - jnp.max(lg, axis=1, keepdims=True)
            out_ref[...] = z - jnp.log(jnp.sum(jnp.exp(z), axis=1,
                                               keepdims=True))


def _run_tc(at4, x3d, W1, b1, a1a, a1b, gamma, beta, W2, b2, a2a, a2b, W3, b3,
            lw1, lb1, lw2, lb2, lw3, lb3):
    fp = jnp.float32
    full2 = lambda ph, g: (0, 0)
    return pl.pallas_call(
        _tc_body,
        grid=(2, G // 2),
        in_specs=[
            pl.BlockSpec((2, P, P), lambda ph, g: ((1 - ph) * g, 0, 0)),
            pl.BlockSpec((2, P, D), lambda ph, g: ((1 - ph) * g, 0, 0)),
            pl.BlockSpec((D, NH), full2),
            pl.BlockSpec((1, NH), full2),
            pl.BlockSpec((NH, 1), full2),
            pl.BlockSpec((1, NH), full2),
            pl.BlockSpec((1, NH), full2),
            pl.BlockSpec((1, NH), full2),
            pl.BlockSpec((NH, NH), full2),
            pl.BlockSpec((1, NH), full2),
            pl.BlockSpec((NH, 1), full2),
            pl.BlockSpec((1, NH), full2),
            pl.BlockSpec((NH, NH), full2),
            pl.BlockSpec((1, NH), full2),
            pl.BlockSpec((2 * NH, NH), full2),
            pl.BlockSpec((1, NH), full2),
            pl.BlockSpec((NH, NH // 2), full2),
            pl.BlockSpec((1, NH // 2), full2),
            pl.BlockSpec((NH // 2, NCLS), full2),
            pl.BlockSpec((1, NCLS), full2),
        ],
        out_specs=[
            pl.BlockSpec((2, P, NH), lambda ph, g: (ph * g, 0, 0)),
            pl.BlockSpec((G, NH // 2), full2),
            pl.BlockSpec((G, NCLS), full2),
        ],
        out_shape=[
            jax.ShapeDtypeStruct((G, P, NH), fp),
            jax.ShapeDtypeStruct((G, NH // 2), fp),
            jax.ShapeDtypeStruct((G, NCLS), fp),
        ],
        scratch_shapes=[
            pltpu.VMEM((G, P, NH), fp),
            pltpu.VMEM((G, K1, NH), fp),
            pltpu.VMEM((G, K1, K1), fp),
            pltpu.VMEM((G, 1, 2 * NH), fp),
            pltpu.VMEM((G, 1, 2 * NH), fp),
            pltpu.VMEM((1, NH), fp),
            pltpu.VMEM((1, NH), fp),
        ],
    )(at4, x3d, W1, b1, a1a, a1b, gamma, beta, W2, b2, a2a, a2b, W3, b3,
      lw1, lb1, lw2, lb2, lw3, lb3)




def kernel(x, edge_index, batch, W1, b1, W2, b2, W3, b3, att1, att2,
           gamma, beta, lw1, lb1, lw2, lb2, lw3, lb3):
    del batch
    fp = jnp.float32
    src = edge_index[0]
    dst = edge_index[1]
    zeros_init = jnp.zeros((_PP,), fp)

    at_flat = _sc_build_at(src, dst, zeros_init)
    at4 = at_flat.reshape(G, P, P)

    x3d = x.reshape(G, P, D)
    b1r = b1.reshape(1, NH)
    a1a = att1[:NH].reshape(NH, 1)
    a1b = att1[NH:].reshape(1, NH)
    a2a = att2[:NH].reshape(NH, 1)
    a2b = att2[NH:].reshape(1, NH)

    x1, x_, out = _run_tc(at4, x3d, W1, b1r, a1a, a1b, gamma.reshape(1, NH),
                          beta.reshape(1, NH), W2, b2.reshape(1, NH), a2a,
                          a2b, W3, b3.reshape(1, NH), lw1,
                          lb1.reshape(1, NH), lw2, lb2.reshape(1, NH // 2),
                          lw3, lb3.reshape(1, NCLS))
    return (x_, out, x1.reshape(N, NH))

# --- scband reference (transcript-rebuilt; emitter-appended) ---
"""Pipeline reference for scband-model-73701638800049 (READ-ONLY COPY).

The authoritative reference and input builder live on the scoring server;
editing this copy changes nothing except your own understanding.
"""

import jax, jax.numpy as jnp
import numpy as np
import math

G, P, D, NH, NC = 50, 200, 128, 128, 10
EPG = 6400
LAMB = 1.0
RATIO = 0.5
K1 = int(math.ceil(P * RATIO))
K2 = int(math.ceil(K1 * RATIO))


def setup_inputs(seed: int = 0) -> dict:
    key = jax.random.key(seed)
    ks = jax.random.split(key, 16)
    N = G * P
    E = G * EPG
    x = jax.random.normal(ks[0], (N, D), dtype=jnp.float32)
    src_l = jax.random.randint(ks[1], (E,), 0, P)
    dst_l = jax.random.randint(ks[2], (E,), 0, P)
    goff = jnp.repeat(jnp.arange(G), EPG)
    src = goff * P + src_l
    dst = goff * P + dst_l
    edge_index = jnp.stack([src, dst]).astype(jnp.int32)
    batch = jnp.repeat(jnp.arange(G), P).astype(jnp.int32)

    def w(k, shape):
        return (jax.random.normal(k, shape, dtype=jnp.float32) * 0.05)

    return {
        'x': x, 'edge_index': edge_index, 'batch': batch,
        'W1': w(ks[3], (D, NH)), 'b1': jnp.zeros((NH,), jnp.float32),
        'W2': w(ks[4], (NH, NH)), 'b2': jnp.zeros((NH,), jnp.float32),
        'W3': w(ks[5], (NH, NH)), 'b3': jnp.zeros((NH,), jnp.float32),
        'att1': w(ks[6], (2 * NH,)), 'att2': w(ks[7], (2 * NH,)),
        'gamma': jnp.ones((NH,), jnp.float32), 'beta': jnp.zeros((NH,), jnp.float32),
        'lw1': w(ks[8], (2 * NH, NH)), 'lb1': jnp.zeros((NH,), jnp.float32),
        'lw2': w(ks[9], (NH, NH // 2)), 'lb2': jnp.zeros((NH // 2,), jnp.float32),
        'lw3': w(ks[10], (NH // 2, NC)), 'lb3': jnp.zeros((NC,), jnp.float32),
    }


def _sub(a, i):
    return a[i][:, i]


def _forward(x, edge_index, W1, b1, W2, b2, W3, b3, att1, att2, gamma, beta, lw1, lb1, lw2, lb2, lw3, lb3):
    N = G * P
    src, dst = edge_index[0], edge_index[1]
    # conv1: GCNConv with self-loops and symmetric normalization (sparse, memory-bound gather/scatter)
    loops = jnp.arange(N)
    s2 = jnp.concatenate([src, loops])
    d2 = jnp.concatenate([dst, loops])
    deg = jnp.zeros((N,), x.dtype).at[d2].add(1.0)
    dinv = jax.lax.rsqrt(jnp.clip(deg, 1.0))
    msg = x[s2] * (dinv[s2] * dinv[d2])[:, None]
    h = jax.ops.segment_sum(msg, d2, num_segments=N)
    x1 = jax.nn.relu(h @ W1 + b1)
    x__ = x1
    # HGPSLPool 1: node information score = ||x - D^-1 A x||_1, per-graph top-k
    degn = jnp.clip(jnp.zeros((N,), x.dtype).at[dst].add(1.0), 1.0)
    neigh = jax.ops.segment_sum(x1[src], dst, num_segments=N) / degn[:, None]
    score = jnp.sum(jnp.abs(x1 - neigh), axis=-1).reshape(G, P)
    sv, idx = jax.lax.top_k(score, K1)
    xg = x1.reshape(G, P, NH)
    xs = jnp.take_along_axis(xg, idx[:, :, None], axis=1) * jnp.tanh(sv)[:, :, None]
    # structure learning: relu attention + lamb * old adjacency, row softmax
    A = jnp.zeros((G, P, P), x.dtype).at[src // P, src % P, dst % P].add(1.0)
    A_sel = jax.vmap(_sub)(A, idx)
    s_i = xs @ att1[:NH]
    s_j = xs @ att1[NH:]
    e1 = jax.nn.relu(s_i[:, :, None] + s_j[:, None, :]) + LAMB * A_sel
    adj1 = jax.nn.softmax(e1, axis=-1)
    r1 = jnp.concatenate([jnp.max(xs, axis=1), jnp.mean(xs, axis=1)], axis=-1)
    # BatchNorm1d over all retained nodes (batch statistics)
    flat = xs.reshape(G * K1, NH)
    mu = jnp.mean(flat, axis=0)
    var = jnp.var(flat, axis=0)
    flat = (flat - mu) * jax.lax.rsqrt(var + 1e-5) * gamma + beta
    xb = flat.reshape(G, K1, NH)
    # conv2: dense GCN on learned adjacency
    x2 = jax.nn.relu(jnp.einsum('gij,gjd->gid', adj1, xb) @ W2 + b2)
    # HGPSLPool 2
    neigh2 = jnp.einsum('gij,gjd->gid', adj1, x2)
    score2 = jnp.sum(jnp.abs(x2 - neigh2), axis=-1)
    sv2, idx2 = jax.lax.top_k(score2, K2)
    xs2 = jnp.take_along_axis(x2, idx2[:, :, None], axis=1) * jnp.tanh(sv2)[:, :, None]
    A1_sel = jax.vmap(_sub)(adj1, idx2)
    t_i = xs2 @ att2[:NH]
    t_j = xs2 @ att2[NH:]
    e2 = jax.nn.relu(t_i[:, :, None] + t_j[:, None, :]) + LAMB * A1_sel
    adj2 = jax.nn.softmax(e2, axis=-1)
    r2 = jnp.concatenate([jnp.max(xs2, axis=1), jnp.mean(xs2, axis=1)], axis=-1)
    # conv3
    x3 = jax.nn.relu(jnp.einsum('gij,gjd->gid', adj2, xs2) @ W3 + b3)
    r3 = jnp.concatenate([jnp.max(x3, axis=1), jnp.mean(x3, axis=1)], axis=-1)
    hh = jax.nn.relu(r1) + jax.nn.relu(r2) + jax.nn.relu(r3)
    hh = jax.nn.relu(hh @ lw1 + lb1)
    hh = jax.nn.relu(hh @ lw2 + lb2)
    x_ = hh
    out = jax.nn.log_softmax(hh @ lw3 + lb3, axis=-1)
    return (x_, out, x__)


def reference(x, edge_index, batch, W1, b1, W2, b2, W3, b3, att1, att2, gamma, beta, lw1, lb1, lw2, lb2, lw3, lb3):
    del batch  # graphs are equal-sized (G x P); batch vector is implicit
    return _forward(x, edge_index, W1, b1, W2, b2, W3, b3, att1, att2, gamma, beta, lw1, lb1, lw2, lb2, lw3, lb3)

if __name__ == "__main__":
    import jax
    _d = setup_inputs()
    print(jax.jit(kernel)(*tuple(_d.values())))

</pallas_src>

<mosaic_0001>
#map = affine_map<(d0, d1) -> (0)>
module attributes {stable_mosaic.version = 14 : i64} {
  func.func @_sc_at_body(%arg0: i32, %arg1: i32, %arg2: memref<320000xi32, #tpu.memory_space<hbm>>, %arg3: memref<320000xi32, #tpu.memory_space<hbm>>, %arg4: memref<40000xf32, #tpu.memory_space<hbm>>, %arg5: memref<2000000xf32, #tpu.memory_space<hbm>>, %arg6: memref<6400xi32, #tpu.memory_space<vmem>>, %arg7: memref<6400xi32, #tpu.memory_space<vmem>>, %arg8: memref<40000xf32, #tpu.memory_space<vmem>>) attributes {dimension_semantics = [#tpu.dimension_semantics<core_parallel>, #tpu.dimension_semantics<subcore_parallel>], iteration_bounds = array<i64: 2, 16>, scalar_prefetch = 0 : i64, scratch_operands = 3 : i64, tpu.core_type = #tpu.core_type<sc_vector_subcore>, window_params = [{transform_indices = #map}, {transform_indices = #map}, {transform_indices = #map}, {transform_indices = #map}]} {
    %mul3A = arith.constant 2 : i32
    %mul3A_0 = arith.muli %arg1, %mul3A : i32
    %add3A = arith.addi %mul3A_0, %arg0 : i32
    %lt3A = arith.constant 18 : i32
    %lt3A_1 = arith.cmpi slt, %add3A, %lt3A : i32
    %mul3A_2 = arith.constant 2 : i32
    %mul3A_3 = arith.muli %mul3A_2, %add3A : i32
    %add3A_4 = arith.constant 18 : i32
    %add3A_5 = arith.addi %add3A_4, %add3A : i32
    %select_n3A = arith.select %lt3A_1, %mul3A_3, %add3A_5 : i32
    %broadcast_in_dim3A = arith.constant 1.000000e+00 : f32
    %broadcast_in_dim3A_6 = vector.broadcast %broadcast_in_dim3A : f32 to vector<16xf32>
    %or3A = arith.constant true
    %or3A_7 = arith.ori %or3A, %lt3A_1 : i1
    %convert_element_type3A = arith.extui %or3A_7 : i1 to i32
    %cond3A = arith.constant 0 : i32
    %cond3A_8 = arith.cmpi ne, %convert_element_type3A, %cond3A : i32
    scf.if %cond3A_8 {
      %add3A_14 = arith.constant 0 : i32
      %add3A_15 = arith.addi %select_n3A, %add3A_14 : i32
      "tpu.region"() ({
        %run_scoped3A = tpu.sem_alloc : memref<!tpu.dma_semaphore, #tpu.memory_space<semaphore_mem>>
        %dma_start3A = arith.constant 0 : i32
        %dma_start3A_27 = tpu.memref_slice %arg8[%dma_start3A] : memref<40000xf32, #tpu.memory_space<vmem>> -> memref<40000xf32, #tpu.memory_space<vmem>>
        %dma_start3A_28 = arith.constant 0 : i32
        %dma_start3A_29 = tpu.memref_slice %arg4[%dma_start3A_28] : memref<40000xf32, #tpu.memory_space<hbm>> -> memref<40000xf32, #tpu.memory_space<hbm>>
        %dma_start3A_30 = arith.constant 0 : i32
        %dma_start3A_31 = tpu.memref_slice %arg8[%dma_start3A_30] : memref<40000xf32, #tpu.memory_space<vmem>> -> memref<40000xf32, #tpu.memory_space<vmem>>
        %dma_start3A_32 = arith.constant 0 : i32
        %dma_start3A_33 = tpu.memref_slice %arg4[%dma_start3A_32] : memref<40000xf32, #tpu.memory_space<hbm>> -> memref<40000xf32, #tpu.memory_space<hbm>>
        tpu.enqueue_dma source(%dma_start3A_33 : memref<40000xf32, #tpu.memory_space<hbm>>) target(%dma_start3A_31 : memref<40000xf32, #tpu.memory_space<vmem>>) target_semaphore(%run_scoped3A : memref<!tpu.dma_semaphore, #tpu.memory_space<semaphore_mem>>)
        %dma_wait3A = arith.constant 0 : i32
        %dma_wait3A_34 = tpu.memref_slice %arg8[%dma_wait3A] : memref<40000xf32, #tpu.memory_space<vmem>> -> memref<40000xf32, #tpu.memory_space<vmem>>
        %dma_wait3A_35 = arith.constant 0 : i32
        %dma_wait3A_36 = tpu.memref_slice %arg4[%dma_wait3A_35] : memref<40000xf32, #tpu.memory_space<hbm>> -> memref<40000xf32, #tpu.memory_space<hbm>>
        %dma_wait3A_37 = arith.constant 0 : i32
        %dma_wait3A_38 = tpu.memref_slice %arg8[%dma_wait3A_37] : memref<40000xf32, #tpu.memory_space<vmem>> -> memref<40000xf32, #tpu.memory_space<vmem>>
        %dma_wait3A_39 = arith.constant 0 : i32
        %dma_wait3A_40 = tpu.memref_slice %arg4[%dma_wait3A_39] : memref<40000xf32, #tpu.memory_space<hbm>> -> memref<40000xf32, #tpu.memory_space<hbm>>
        tpu.wait_dma2 semaphore(%run_scoped3A : memref<!tpu.dma_semaphore, #tpu.memory_space<semaphore_mem>>) src(%dma_wait3A_40 : memref<40000xf32, #tpu.memory_space<hbm>>) dst(%dma_wait3A_38 : memref<40000xf32, #tpu.memory_space<vmem>>)
        tpu.yield
      }) : () -> ()
      %mul3A_16 = arith.constant 6400 : i32
      %mul3A_17 = arith.muli %add3A_15, %mul3A_16 : i32
      "tpu.region"() ({
        %run_scoped3A = tpu.sem_alloc : memref<!tpu.dma_semaphore, #tpu.memory_space<semaphore_mem>>
        %dma_start3A = arith.constant 0 : i32
        %dma_start3A_27 = tpu.memref_slice %arg6[%dma_start3A] : memref<6400xi32, #tpu.memory_space<vmem>> -> memref<6400xi32, #tpu.memory_space<vmem>>
        %dma_start3A_28 = tpu.memref_slice %arg2[%mul3A_17] : memref<320000xi32, #tpu.memory_space<hbm>> -> memref<6400xi32, #tpu.memory_space<hbm>>
        %dma_start3A_29 = arith.constant 0 : i32
        %dma_start3A_30 = tpu.memref_slice %arg6[%dma_start3A_29] : memref<6400xi32, #tpu.memory_space<vmem>> -> memref<6400xi32, #tpu.memory_space<vmem>>
        %dma_start3A_31 = tpu.memref_slice %arg2[%mul3A_17] : memref<320000xi32, #tpu.memory_space<hbm>> -> memref<6400xi32, #tpu.memory_space<hbm>>
        tpu.enqueue_dma source(%dma_start3A_31 : memref<6400xi32, #tpu.memory_space<hbm>>) target(%dma_start3A_30 : memref<6400xi32, #tpu.memory_space<vmem>>) target_semaphore(%run_scoped3A : memref<!tpu.dma_semaphore, #tpu.memory_space<semaphore_mem>>)
        %dma_wait3A = arith.constant 0 : i32
        %dma_wait3A_32 = tpu.memref_slice %arg6[%dma_wait3A] : memref<6400xi32, #tpu.memory_space<vmem>> -> memref<6400xi32, #tpu.memory_space<vmem>>
        %dma_wait3A_33 = tpu.memref_slice %arg2[%mul3A_17] : memref<320000xi32, #tpu.memory_space<hbm>> -> memref<6400xi32, #tpu.memory_space<hbm>>
        %dma_wait3A_34 = arith.constant 0 : i32
        %dma_wait3A_35 = tpu.memref_slice %arg6[%dma_wait3A_34] : memref<6400xi32, #tpu.memory_space<vmem>> -> memref<6400xi32, #tpu.memory_space<vmem>>
        %dma_wait3A_36 = tpu.memref_slice %arg2[%mul3A_17] : memref<320000xi32, #tpu.memory_space<hbm>> -> memref<6400xi32, #tpu.memory_space<hbm>>
        tpu.wait_dma2 semaphore(%run_scoped3A : memref<!tpu.dma_semaphore, #tpu.memory_space<semaphore_mem>>) src(%dma_wait3A_36 : memref<6400xi32, #tpu.memory_space<hbm>>) dst(%dma_wait3A_35 : memref<6400xi32, #tpu.memory_space<vmem>>)
        tpu.yield
      }) : () -> ()
      "tpu.region"() ({
        %run_scoped3A = tpu.sem_alloc : memref<!tpu.dma_semaphore, #tpu.memory_space<semaphore_mem>>
        %dma_start3A = arith.constant 0 : i32
        %dma_start3A_27 = tpu.memref_slice %arg7[%dma_start3A] : memref<6400xi32, #tpu.memory_space<vmem>> -> memref<6400xi32, #tpu.memory_space<vmem>>
        %dma_start3A_28 = tpu.memref_slice %arg3[%mul3A_17] : memref<320000xi32, #tpu.memory_space<hbm>> -> memref<6400xi32, #tpu.memory_space<hbm>>
        %dma_start3A_29 = arith.constant 0 : i32
        %dma_start3A_30 = tpu.memref_slice %arg7[%dma_start3A_29] : memref<6400xi32, #tpu.memory_space<vmem>> -> memref<6400xi32, #tpu.memory_space<vmem>>
        %dma_start3A_31 = tpu.memref_slice %arg3[%mul3A_17] : memref<320000xi32, #tpu.memory_space<hbm>> -> memref<6400xi32, #tpu.memory_space<hbm>>
        tpu.enqueue_dma source(%dma_start3A_31 : memref<6400xi32, #tpu.memory_space<hbm>>) target(%dma_start3A_30 : memref<6400xi32, #tpu.memory_space<vmem>>) target_semaphore(%run_scoped3A : memref<!tpu.dma_semaphore, #tpu.memory_space<semaphore_mem>>)
        %dma_wait3A = arith.constant 0 : i32
        %dma_wait3A_32 = tpu.memref_slice %arg7[%dma_wait3A] : memref<6400xi32, #tpu.memory_space<vmem>> -> memref<6400xi32, #tpu.memory_space<vmem>>
        %dma_wait3A_33 = tpu.memref_slice %arg3[%mul3A_17] : memref<320000xi32, #tpu.memory_space<hbm>> -> memref<6400xi32, #tpu.memory_space<hbm>>
        %dma_wait3A_34 = arith.constant 0 : i32
        %dma_wait3A_35 = tpu.memref_slice %arg7[%dma_wait3A_34] : memref<6400xi32, #tpu.memory_space<vmem>> -> memref<6400xi32, #tpu.memory_space<vmem>>
        %dma_wait3A_36 = tpu.memref_slice %arg3[%mul3A_17] : memref<320000xi32, #tpu.memory_space<hbm>> -> memref<6400xi32, #tpu.memory_space<hbm>>
        tpu.wait_dma2 semaphore(%run_scoped3A : memref<!tpu.dma_semaphore, #tpu.memory_space<semaphore_mem>>) src(%dma_wait3A_36 : memref<6400xi32, #tpu.memory_space<hbm>>) dst(%dma_wait3A_35 : memref<6400xi32, #tpu.memory_space<vmem>>)
        tpu.yield
      }) : () -> ()
      %mul3A_18 = arith.constant 40200 : i32
      %mul3A_19 = arith.muli %add3A_15, %mul3A_18 : i32
      %scan3A = arith.constant 0 : i32
      %scan3A_20 = arith.constant 0 : i32
      %scan3A_21 = arith.constant 400 : i32
      %scan3A_22 = arith.addi %scan3A_20, %scan3A_21 : i32
      %scan3A_23 = arith.constant 8 : i32
      scf.for %scan3A_27 = %scan3A_20 to %scan3A_22 step %scan3A_23  : i32 {
        %mul3A_28 = arith.constant 16 : i32
        %mul3A_29 = arith.muli %scan3A_27, %mul3A_28 : i32
        %get3A = arith.index_cast %mul3A_29 : i32 to index
        %get3A_30 = tpu.vector_load %arg6[%get3A] {strides = array<i32>} : memref<6400xi32, #tpu.memory_space<vmem>>, vector<16xi32>,
        %mul3A_31 = arith.constant 16 : i32
        %mul3A_32 = arith.muli %scan3A_27, %mul3A_31 : i32
        %get3A_33 = arith.index_cast %mul3A_32 : i32 to index
        %get3A_34 = tpu.vector_load %arg7[%get3A_33] {strides = array<i32>} : memref<6400xi32, #tpu.memory_space<vmem>>, vector<16xi32>,
        %mul3A_35 = arith.constant 200 : i32
        %mul3A_36 = vector.broadcast %mul3A_35 : i32 to vector<16xi32>
        %mul3A_37 = arith.muli %get3A_34, %mul3A_36 : vector<16xi32>
        %add3A_38 = arith.addi %mul3A_37, %get3A_30 : vector<16xi32>
        %sub3A = vector.broadcast %mul3A_19 : i32 to vector<16xi32>
        %sub3A_39 = arith.subi %add3A_38, %sub3A : vector<16xi32>
        tpu.vector_store_idx %arg8[%sub3A_39], %broadcast_in_dim3A_6 {add = true} : memref<40000xf32, #tpu.memory_space<vmem>>[vector<16xi32>], vector<16xf32>,
        %scan3A_40 = arith.constant 1 : i32
        %scan3A_41 = arith.addi %scan3A_27, %scan3A_40 : i32
        %mul3A_42 = arith.constant 16 : i32
        %mul3A_43 = arith.muli %scan3A_41, %mul3A_42 : i32
        %get3A_44 = arith.index_cast %mul3A_43 : i32 to index
        %get3A_45 = tpu.vector_load %arg6[%get3A_44] {strides = array<i32>} : memref<6400xi32, #tpu.memory_space<vmem>>, vector<16xi32>,
        %mul3A_46 = arith.constant 16 : i32
        %mul3A_47 = arith.muli %scan3A_41, %mul3A_46 : i32
        %get3A_48 = arith.index_cast %mul3A_47 : i32 to index
        %get3A_49 = tpu.vector_load %arg7[%get3A_48] {strides = array<i32>} : memref<6400xi32, #tpu.memory_space<vmem>>, vector<16xi32>,
        %mul3A_50 = arith.constant 200 : i32
        %mul3A_51 = vector.broadcast %mul3A_50 : i32 to vector<16xi32>
        %mul3A_52 = arith.muli %get3A_49, %mul3A_51 : vector<16xi32>
        %add3A_53 = arith.addi %mul3A_52, %get3A_45 : vector<16xi32>
        %sub3A_54 = vector.broadcast %mul3A_19 : i32 to vector<16xi32>
        %sub3A_55 = arith.subi %add3A_53, %sub3A_54 : vector<16xi32>
        tpu.vector_store_idx %arg8[%sub3A_55], %broadcast_in_dim3A_6 {add = true} : memref<40000xf32, #tpu.memory_space<vmem>>[vector<16xi32>], vector<16xf32>,
        %scan3A_56 = arith.constant 2 : i32
        %scan3A_57 = arith.addi %scan3A_27, %scan3A_56 : i32
        %mul3A_58 = arith.constant 16 : i32
        %mul3A_59 = arith.muli %scan3A_57, %mul3A_58 : i32
        %get3A_60 = arith.index_cast %mul3A_59 : i32 to index
        %get3A_61 = tpu.vector_load %arg6[%get3A_60] {strides = array<i32>} : memref<6400xi32, #tpu.memory_space<vmem>>, vector<16xi32>,
        %mul3A_62 = arith.constant 16 : i32
        %mul3A_63 = arith.muli %scan3A_57, %mul3A_62 : i32
        %get3A_64 = arith.index_cast %mul3A_63 : i32 to index
        %get3A_65 = tpu.vector_load %arg7[%get3A_64] {strides = array<i32>} : memref<6400xi32, #tpu.memory_space<vmem>>, vector<16xi32>,
        %mul3A_66 = arith.constant 200 : i32
        %mul3A_67 = vector.broadcast %mul3A_66 : i32 to vector<16xi32>
        %mul3A_68 = arith.muli %get3A_65, %mul3A_67 : vector<16xi32>
        %add3A_69 = arith.addi %mul3A_68, %get3A_61 : vector<16xi32>
        %sub3A_70 = vector.broadcast %mul3A_19 : i32 to vector<16xi32>
        %sub3A_71 = arith.subi %add3A_69, %sub3A_70 : vector<16xi32>
        tpu.vector_store_idx %arg8[%sub3A_71], %broadcast_in_dim3A_6 {add = true} : memref<40000xf32, #tpu.memory_space<vmem>>[vector<16xi32>], vector<16xf32>,
        %scan3A_72 = arith.constant 3 : i32
        %scan3A_73 = arith.addi %scan3A_27, %scan3A_72 : i32
        %mul3A_74 = arith.constant 16 : i32
        %mul3A_75 = arith.muli %scan3A_73, %mul3A_74 : i32
        %get3A_76 = arith.index_cast %mul3A_75 : i32 to index
        %get3A_77 = tpu.vector_load %arg6[%get3A_76] {strides = array<i32>} : memref<6400xi32, #tpu.memory_space<vmem>>, vector<16xi32>,
        %mul3A_78 = arith.constant 16 : i32
        %mul3A_79 = arith.muli %scan3A_73, %mul3A_78 : i32
        %get3A_80 = arith.index_cast %mul3A_79 : i32 to index
        %get3A_81 = tpu.vector_load %arg7[%get3A_80] {strides = array<i32>} : memref<6400xi32, #tpu.memory_space<vmem>>, vector<16xi32>,
        %mul3A_82 = arith.constant 200 : i32
        %mul3A_83 = vector.broadcast %mul3A_82 : i32 to vector<16xi32>
        %mul3A_84 = arith.muli %get3A_81, %mul3A_83 : vector<16xi32>
        %add3A_85 = arith.addi %mul3A_84, %get3A_77 : vector<16xi32>
        %sub3A_86 = vector.broadcast %mul3A_19 : i32 to vector<16xi32>
        %sub3A_87 = arith.subi %add3A_85, %sub3A_86 : vector<16xi32>
        tpu.vector_store_idx %arg8[%sub3A_87], %broadcast_in_dim3A_6 {add = true} : memref<40000xf32, #tpu.memory_space<vmem>>[vector<16xi32>], vector<16xf32>,
        %scan3A_88 = arith.constant 4 : i32
        %scan3A_89 = arith.addi %scan3A_27, %scan3A_88 : i32
        %mul3A_90 = arith.constant 16 : i32
        %mul3A_91 = arith.muli %scan3A_89, %mul3A_90 : i32
        %get3A_92 = arith.index_cast %mul3A_91 : i32 to index
        %get3A_93 = tpu.vector_load %arg6[%get3A_92] {strides = array<i32>} : memref<6400xi32, #tpu.memory_space<vmem>>, vector<16xi32>,
        %mul3A_94 = arith.constant 16 : i32
        %mul3A_95 = arith.muli %scan3A_89, %mul3A_94 : i32
        %get3A_96 = arith.index_cast %mul3A_95 : i32 to index
        %get3A_97 = tpu.vector_load %arg7[%get3A_96] {strides = array<i32>} : memref<6400xi32, #tpu.memory_space<vmem>>, vector<16xi32>,
        %mul3A_98 = arith.constant 200 : i32
        %mul3A_99 = vector.broadcast %mul3A_98 : i32 to vector<16xi32>
        %mul3A_100 = arith.muli %get3A_97, %mul3A_99 : vector<16xi32>
        %add3A_101 = arith.addi %mul3A_100, %get3A_93 : vector<16xi32>
        %sub3A_102 = vector.broadcast %mul3A_19 : i32 to vector<16xi32>
        %sub3A_103 = arith.subi %add3A_101, %sub3A_102 : vector<16xi32>
        tpu.vector_store_idx %arg8[%sub3A_103], %broadcast_in_dim3A_6 {add = true} : memref<40000xf32, #tpu.memory_space<vmem>>[vector<16xi32>], vector<16xf32>,
        %scan3A_104 = arith.constant 5 : i32
        %scan3A_105 = arith.addi %scan3A_27, %scan3A_104 : i32
        %mul3A_106 = arith.constant 16 : i32
        %mul3A_107 = arith.muli %scan3A_105, %mul3A_106 : i32
        %get3A_108 = arith.index_cast %mul3A_107 : i32 to index
        %get3A_109 = tpu.vector_load %arg6[%get3A_108] {strides = array<i32>} : memref<6400xi32, #tpu.memory_space<vmem>>, vector<16xi32>,
        %mul3A_110 = arith.constant 16 : i32
        %mul3A_111 = arith.muli %scan3A_105, %mul3A_110 : i32
        %get3A_112 = arith.index_cast %mul3A_111 : i32 to index
        %get3A_113 = tpu.vector_load %arg7[%get3A_112] {strides = array<i32>} : memref<6400xi32, #tpu.memory_space<vmem>>, vector<16xi32>,
        %mul3A_114 = arith.constant 200 : i32
        %mul3A_115 = vector.broadcast %mul3A_114 : i32 to vector<16xi32>
        %mul3A_116 = arith.muli %get3A_113, %mul3A_115 : vector<16xi32>
        %add3A_117 = arith.addi %mul3A_116, %get3A_109 : vector<16xi32>
        %sub3A_118 = vector.broadcast %mul3A_19 : i32 to vector<16xi32>
        %sub3A_119 = arith.subi %add3A_117, %sub3A_118 : vector<16xi32>
        tpu.vector_store_idx %arg8[%sub3A_119], %broadcast_in_dim3A_6 {add = true} : memref<40000xf32, #tpu.memory_space<vmem>>[vector<16xi32>], vector<16xf32>,
        %scan3A_120 = arith.constant 6 : i32
        %scan3A_121 = arith.addi %scan3A_27, %scan3A_120 : i32
        %mul3A_122 = arith.constant 16 : i32
        %mul3A_123 = arith.muli %scan3A_121, %mul3A_122 : i32
        %get3A_124 = arith.index_cast %mul3A_123 : i32 to index
        %get3A_125 = tpu.vector_load %arg6[%get3A_124] {strides = array<i32>} : memref<6400xi32, #tpu.memory_space<vmem>>, vector<16xi32>,
        %mul3A_126 = arith.constant 16 : i32
        %mul3A_127 = arith.muli %scan3A_121, %mul3A_126 : i32
        %get3A_128 = arith.index_cast %mul3A_127 : i32 to index
        %get3A_129 = tpu.vector_load %arg7[%get3A_128] {strides = array<i32>} : memref<6400xi32, #tpu.memory_space<vmem>>, vector<16xi32>,
        %mul3A_130 = arith.constant 200 : i32
        %mul3A_131 = vector.broadcast %mul3A_130 : i32 to vector<16xi32>
        %mul3A_132 = arith.muli %get3A_129, %mul3A_131 : vector<16xi32>
        %add3A_133 = arith.addi %mul3A_132, %get3A_125 : vector<16xi32>
        %sub3A_134 = vector.broadcast %mul3A_19 : i32 to vector<16xi32>
        %sub3A_135 = arith.subi %add3A_133, %sub3A_134 : vector<16xi32>
        tpu.vector_store_idx %arg8[%sub3A_135], %broadcast_in_dim3A_6 {add = true} : memref<40000xf32, #tpu.memory_space<vmem>>[vector<16xi32>], vector<16xf32>,
        %scan3A_136 = arith.constant 7 : i32
        %scan3A_137 = arith.addi %scan3A_27, %scan3A_136 : i32
        %mul3A_138 = arith.constant 16 : i32
        %mul3A_139 = arith.muli %scan3A_137, %mul3A_138 : i32
        %get3A_140 = arith.index_cast %mul3A_139 : i32 to index
        %get3A_141 = tpu.vector_load %arg6[%get3A_140] {strides = array<i32>} : memref<6400xi32, #tpu.memory_space<vmem>>, vector<16xi32>,
        %mul3A_142 = arith.constant 16 : i32
        %mul3A_143 = arith.muli %scan3A_137, %mul3A_142 : i32
        %get3A_144 = arith.index_cast %mul3A_143 : i32 to index
        %get3A_145 = tpu.vector_load %arg7[%get3A_144] {strides = array<i32>} : memref<6400xi32, #tpu.memory_space<vmem>>, vector<16xi32>,
        %mul3A_146 = arith.constant 200 : i32
        %mul3A_147 = vector.broadcast %mul3A_146 : i32 to vector<16xi32>
        %mul3A_148 = arith.muli %get3A_145, %mul3A_147 : vector<16xi32>
        %add3A_149 = arith.addi %mul3A_148, %get3A_141 : vector<16xi32>
        %sub3A_150 = vector.broadcast %mul3A_19 : i32 to vector<16xi32>
        %sub3A_151 = arith.subi %add3A_149, %sub3A_150 : vector<16xi32>
        tpu.vector_store_idx %arg8[%sub3A_151], %broadcast_in_dim3A_6 {add = true} : memref<40000xf32, #tpu.memory_space<vmem>>[vector<16xi32>], vector<16xf32>,
      }
      %scan3A_24 = arith.constant 400 : i32
      %mul3A_25 = arith.constant 40000 : i32
      %mul3A_26 = arith.muli %add3A_15, %mul3A_25 : i32
      "tpu.region"() ({
        %run_scoped3A = tpu.sem_alloc : memref<!tpu.dma_semaphore, #tpu.memory_space<semaphore_mem>>
        %dma_start3A = arith.constant 0 : i32
        %dma_start3A_27 = tpu.memref_slice %arg8[%dma_start3A] : memref<40000xf32, #tpu.memory_space<vmem>> -> memref<40000xf32, #tpu.memory_space<vmem>>
        %dma_start3A_28 = tpu.memref_slice %arg5[%mul3A_26] : memref<2000000xf32, #tpu.memory_space<hbm>> -> memref<40000xf32, #tpu.memory_space<hbm>>
        %dma_start3A_29 = tpu.memref_slice %arg5[%mul3A_26] : memref<2000000xf32, #tpu.memory_space<hbm>> -> memref<40000xf32, #tpu.memory_space<hbm>>
        %dma_start3A_30 = arith.constant 0 : i32
        %dma_start3A_31 = tpu.memref_slice %arg8[%dma_start3A_30] : memref<40000xf32, #tpu.memory_space<vmem>> -> memref<40000xf32, #tpu.memory_space<vmem>>
        tpu.enqueue_dma source(%dma_start3A_31 : memref<40000xf32, #tpu.memory_space<vmem>>) target(%dma_start3A_29 : memref<40000xf32, #tpu.memory_space<hbm>>) target_semaphore(%run_scoped3A : memref<!tpu.dma_semaphore, #tpu.memory_space<semaphore_mem>>)
        %dma_wait3A = arith.constant 0 : i32
        %dma_wait3A_32 = tpu.memref_slice %arg8[%dma_wait3A] : memref<40000xf32, #tpu.memory_space<vmem>> -> memref<40000xf32, #tpu.memory_space<vmem>>
        %dma_wait3A_33 = tpu.memref_slice %arg5[%mul3A_26] : memref<2000000xf32, #tpu.memory_space<hbm>> -> memref<40000xf32, #tpu.memory_space<hbm>>
        %dma_wait3A_34 = tpu.memref_slice %arg5[%mul3A_26] : memref<2000000xf32, #tpu.memory_space<hbm>> -> memref<40000xf32, #tpu.memory_space<hbm>>
        %dma_wait3A_35 = arith.constant 0 : i32
        %dma_wait3A_36 = tpu.memref_slice %arg8[%dma_wait3A_35] : memref<40000xf32, #tpu.memory_space<vmem>> -> memref<40000xf32, #tpu.memory_space<vmem>>
        tpu.wait_dma2 semaphore(%run_scoped3A : memref<!tpu.dma_semaphore, #tpu.memory_space<semaphore_mem>>) src(%dma_wait3A_36 : memref<40000xf32, #tpu.memory_space<vmem>>) dst(%dma_wait3A_34 : memref<40000xf32, #tpu.memory_space<hbm>>)
        tpu.yield
      }) : () -> ()
    } else {
    }
    %or3A_9 = arith.constant false
    %or3A_10 = arith.ori %or3A_9, %lt3A_1 : i1
    %convert_element_type3A_11 = arith.extui %or3A_10 : i1 to i32
    %cond3A_12 = arith.constant 0 : i32
    %cond3A_13 = arith.cmpi ne, %convert_element_type3A_11, %cond3A_12 : i32
    scf.if %cond3A_13 {
      %add3A_14 = arith.constant 1 : i32
      %add3A_15 = arith.addi %select_n3A, %add3A_14 : i32
      "tpu.region"() ({
        %run_scoped3A = tpu.sem_alloc : memref<!tpu.dma_semaphore, #tpu.memory_space<semaphore_mem>>
        %dma_start3A = arith.constant 0 : i32
        %dma_start3A_27 = tpu.memref_slice %arg8[%dma_start3A] : memref<40000xf32, #tpu.memory_space<vmem>> -> memref<40000xf32, #tpu.memory_space<vmem>>
        %dma_start3A_28 = arith.constant 0 : i32
        %dma_start3A_29 = tpu.memref_slice %arg4[%dma_start3A_28] : memref<40000xf32, #tpu.memory_space<hbm>> -> memref<40000xf32, #tpu.memory_space<hbm>>
        %dma_start3A_30 = arith.constant 0 : i32
        %dma_start3A_31 = tpu.memref_slice %arg8[%dma_start3A_30] : memref<40000xf32, #tpu.memory_space<vmem>> -> memref<40000xf32, #tpu.memory_space<vmem>>
        %dma_start3A_32 = arith.constant 0 : i32
        %dma_start3A_33 = tpu.memref_slice %arg4[%dma_start3A_32] : memref<40000xf32, #tpu.memory_space<hbm>> -> memref<40000xf32, #tpu.memory_space<hbm>>
        tpu.enqueue_dma source(%dma_start3A_33 : memref<40000xf32, #tpu.memory_space<hbm>>) target(%dma_start3A_31 : memref<40000xf32, #tpu.memory_space<vmem>>) target_semaphore(%run_scoped3A : memref<!tpu.dma_semaphore, #tpu.memory_space<semaphore_mem>>)
        %dma_wait3A = arith.constant 0 : i32
        %dma_wait3A_34 = tpu.memref_slice %arg8[%dma_wait3A] : memref<40000xf32, #tpu.memory_space<vmem>> -> memref<40000xf32, #tpu.memory_space<vmem>>
        %dma_wait3A_35 = arith.constant 0 : i32
        %dma_wait3A_36 = tpu.memref_slice %arg4[%dma_wait3A_35] : memref<40000xf32, #tpu.memory_space<hbm>> -> memref<40000xf32, #tpu.memory_space<hbm>>
        %dma_wait3A_37 = arith.constant 0 : i32
        %dma_wait3A_38 = tpu.memref_slice %arg8[%dma_wait3A_37] : memref<40000xf32, #tpu.memory_space<vmem>> -> memref<40000xf32, #tpu.memory_space<vmem>>
        %dma_wait3A_39 = arith.constant 0 : i32
        %dma_wait3A_40 = tpu.memref_slice %arg4[%dma_wait3A_39] : memref<40000xf32, #tpu.memory_space<hbm>> -> memref<40000xf32, #tpu.memory_space<hbm>>
        tpu.wait_dma2 semaphore(%run_scoped3A : memref<!tpu.dma_semaphore, #tpu.memory_space<semaphore_mem>>) src(%dma_wait3A_40 : memref<40000xf32, #tpu.memory_space<hbm>>) dst(%dma_wait3A_38 : memref<40000xf32, #tpu.memory_space<vmem>>)
        tpu.yield
      }) : () -> ()
      %mul3A_16 = arith.constant 6400 : i32
      %mul3A_17 = arith.muli %add3A_15, %mul3A_16 : i32
      "tpu.region"() ({
        %run_scoped3A = tpu.sem_alloc : memref<!tpu.dma_semaphore, #tpu.memory_space<semaphore_mem>>
        %dma_start3A = arith.constant 0 : i32
        %dma_start3A_27 = tpu.memref_slice %arg6[%dma_start3A] : memref<6400xi32, #tpu.memory_space<vmem>> -> memref<6400xi32, #tpu.memory_space<vmem>>
        %dma_start3A_28 = tpu.memref_slice %arg2[%mul3A_17] : memref<320000xi32, #tpu.memory_space<hbm>> -> memref<6400xi32, #tpu.memory_space<hbm>>
        %dma_start3A_29 = arith.constant 0 : i32
        %dma_start3A_30 = tpu.memref_slice %arg6[%dma_start3A_29] : memref<6400xi32, #tpu.memory_space<vmem>> -> memref<6400xi32, #tpu.memory_space<vmem>>
        %dma_start3A_31 = tpu.memref_slice %arg2[%mul3A_17] : memref<320000xi32, #tpu.memory_space<hbm>> -> memref<6400xi32, #tpu.memory_space<hbm>>
        tpu.enqueue_dma source(%dma_start3A_31 : memref<6400xi32, #tpu.memory_space<hbm>>) target(%dma_start3A_30 : memref<6400xi32, #tpu.memory_space<vmem>>) target_semaphore(%run_scoped3A : memref<!tpu.dma_semaphore, #tpu.memory_space<semaphore_mem>>)
        %dma_wait3A = arith.constant 0 : i32
        %dma_wait3A_32 = tpu.memref_slice %arg6[%dma_wait3A] : memref<6400xi32, #tpu.memory_space<vmem>> -> memref<6400xi32, #tpu.memory_space<vmem>>
        %dma_wait3A_33 = tpu.memref_slice %arg2[%mul3A_17] : memref<320000xi32, #tpu.memory_space<hbm>> -> memref<6400xi32, #tpu.memory_space<hbm>>
        %dma_wait3A_34 = arith.constant 0 : i32
        %dma_wait3A_35 = tpu.memref_slice %arg6[%dma_wait3A_34] : memref<6400xi32, #tpu.memory_space<vmem>> -> memref<6400xi32, #tpu.memory_space<vmem>>
        %dma_wait3A_36 = tpu.memref_slice %arg2[%mul3A_17] : memref<320000xi32, #tpu.memory_space<hbm>> -> memref<6400xi32, #tpu.memory_space<hbm>>
        tpu.wait_dma2 semaphore(%run_scoped3A : memref<!tpu.dma_semaphore, #tpu.memory_space<semaphore_mem>>) src(%dma_wait3A_36 : memref<6400xi32, #tpu.memory_space<hbm>>) dst(%dma_wait3A_35 : memref<6400xi32, #tpu.memory_space<vmem>>)
        tpu.yield
      }) : () -> ()
      "tpu.region"() ({
        %run_scoped3A = tpu.sem_alloc : memref<!tpu.dma_semaphore, #tpu.memory_space<semaphore_mem>>
        %dma_start3A = arith.constant 0 : i32
        %dma_start3A_27 = tpu.memref_slice %arg7[%dma_start3A] : memref<6400xi32, #tpu.memory_space<vmem>> -> memref<6400xi32, #tpu.memory_space<vmem>>
        %dma_start3A_28 = tpu.memref_slice %arg3[%mul3A_17] : memref<320000xi32, #tpu.memory_space<hbm>> -> memref<6400xi32, #tpu.memory_space<hbm>>
        %dma_start3A_29 = arith.constant 0 : i32
        %dma_start3A_30 = tpu.memref_slice %arg7[%dma_start3A_29] : memref<6400xi32, #tpu.memory_space<vmem>> -> memref<6400xi32, #tpu.memory_space<vmem>>
        %dma_start3A_31 = tpu.memref_slice %arg3[%mul3A_17] : memref<320000xi32, #tpu.memory_space<hbm>> -> memref<6400xi32, #tpu.memory_space<hbm>>
        tpu.enqueue_dma source(%dma_start3A_31 : memref<6400xi32, #tpu.memory_space<hbm>>) target(%dma_start3A_30 : memref<6400xi32, #tpu.memory_space<vmem>>) target_semaphore(%run_scoped3A : memref<!tpu.dma_semaphore, #tpu.memory_space<semaphore_mem>>)
        %dma_wait3A = arith.constant 0 : i32
        %dma_wait3A_32 = tpu.memref_slice %arg7[%dma_wait3A] : memref<6400xi32, #tpu.memory_space<vmem>> -> memref<6400xi32, #tpu.memory_space<vmem>>
        %dma_wait3A_33 = tpu.memref_slice %arg3[%mul3A_17] : memref<320000xi32, #tpu.memory_space<hbm>> -> memref<6400xi32, #tpu.memory_space<hbm>>
        %dma_wait3A_34 = arith.constant 0 : i32
        %dma_wait3A_35 = tpu.memref_slice %arg7[%dma_wait3A_34] : memref<6400xi32, #tpu.memory_space<vmem>> -> memref<6400xi32, #tpu.memory_space<vmem>>
        %dma_wait3A_36 = tpu.memref_slice %arg3[%mul3A_17] : memref<320000xi32, #tpu.memory_space<hbm>> -> memref<6400xi32, #tpu.memory_space<hbm>>
        tpu.wait_dma2 semaphore(%run_scoped3A : memref<!tpu.dma_semaphore, #tpu.memory_space<semaphore_mem>>) src(%dma_wait3A_36 : memref<6400xi32, #tpu.memory_space<hbm>>) dst(%dma_wait3A_35 : memref<6400xi32, #tpu.memory_space<vmem>>)
        tpu.yield
      }) : () -> ()
      %mul3A_18 = arith.constant 40200 : i32
      %mul3A_19 = arith.muli %add3A_15, %mul3A_18 : i32
      %scan3A = arith.constant 0 : i32
      %scan3A_20 = arith.constant 0 : i32
      %scan3A_21 = arith.constant 400 : i32
      %scan3A_22 = arith.addi %scan3A_20, %scan3A_21 : i32
      %scan3A_23 = arith.constant 8 : i32
      scf.for %scan3A_27 = %scan3A_20 to %scan3A_22 step %scan3A_23  : i32 {
        %mul3A_28 = arith.constant 16 : i32
        %mul3A_29 = arith.muli %scan3A_27, %mul3A_28 : i32
        %get3A = arith.index_cast %mul3A_29 : i32 to index
        %get3A_30 = tpu.vector_load %arg6[%get3A] {strides = array<i32>} : memref<6400xi32, #tpu.memory_space<vmem>>, vector<16xi32>,
        %mul3A_31 = arith.constant 16 : i32
        %mul3A_32 = arith.muli %scan3A_27, %mul3A_31 : i32
        %get3A_33 = arith.index_cast %mul3A_32 : i32 to index
        %get3A_34 = tpu.vector_load %arg7[%get3A_33] {strides = array<i32>} : memref<6400xi32, #tpu.memory_space<vmem>>, vector<16xi32>,
        %mul3A_35 = arith.constant 200 : i32
        %mul3A_36 = vector.broadcast %mul3A_35 : i32 to vector<16xi32>
        %mul3A_37 = arith.muli %get3A_34, %mul3A_36 : vector<16xi32>
        %add3A_38 = arith.addi %mul3A_37, %get3A_30 : vector<16xi32>
        %sub3A = vector.broadcast %mul3A_19 : i32 to vector<16xi32>
        %sub3A_39 = arith.subi %add3A_38, %sub3A : vector<16xi32>
        tpu.vector_store_idx %arg8[%sub3A_39], %broadcast_in_dim3A_6 {add = true} : memref<40000xf32, #tpu.memory_space<vmem>>[vector<16xi32>], vector<16xf32>,
        %scan3A_40 = arith.constant 1 : i32
        %scan3A_41 = arith.addi %scan3A_27, %scan3A_40 : i32
        %mul3A_42 = arith.constant 16 : i32
        %mul3A_43 = arith.muli %scan3A_41, %mul3A_42 : i32
        %get3A_44 = arith.index_cast %mul3A_43 : i32 to index
        %get3A_45 = tpu.vector_load %arg6[%get3A_44] {strides = array<i32>} : memref<6400xi32, #tpu.memory_space<vmem>>, vector<16xi32>,
        %mul3A_46 = arith.constant 16 : i32
        %mul3A_47 = arith.muli %scan3A_41, %mul3A_46 : i32
        %get3A_48 = arith.index_cast %mul3A_47 : i32 to index
        %get3A_49 = tpu.vector_load %arg7[%get3A_48] {strides = array<i32>} : memref<6400xi32, #tpu.memory_space<vmem>>, vector<16xi32>,
        %mul3A_50 = arith.constant 200 : i32
        %mul3A_51 = vector.broadcast %mul3A_50 : i32 to vector<16xi32>
        %mul3A_52 = arith.muli %get3A_49, %mul3A_51 : vector<16xi32>
        %add3A_53 = arith.addi %mul3A_52, %get3A_45 : vector<16xi32>
        %sub3A_54 = vector.broadcast %mul3A_19 : i32 to vector<16xi32>
        %sub3A_55 = arith.subi %add3A_53, %sub3A_54 : vector<16xi32>
        tpu.vector_store_idx %arg8[%sub3A_55], %broadcast_in_dim3A_6 {add = true} : memref<40000xf32, #tpu.memory_space<vmem>>[vector<16xi32>], vector<16xf32>,
        %scan3A_56 = arith.constant 2 : i32
        %scan3A_57 = arith.addi %scan3A_27, %scan3A_56 : i32
        %mul3A_58 = arith.constant 16 : i32
        %mul3A_59 = arith.muli %scan3A_57, %mul3A_58 : i32
        %get3A_60 = arith.index_cast %mul3A_59 : i32 to index
        %get3A_61 = tpu.vector_load %arg6[%get3A_60] {strides = array<i32>} : memref<6400xi32, #tpu.memory_space<vmem>>, vector<16xi32>,
        %mul3A_62 = arith.constant 16 : i32
        %mul3A_63 = arith.muli %scan3A_57, %mul3A_62 : i32
        %get3A_64 = arith.index_cast %mul3A_63 : i32 to index
        %get3A_65 = tpu.vector_load %arg7[%get3A_64] {strides = array<i32>} : memref<6400xi32, #tpu.memory_space<vmem>>, vector<16xi32>,
        %mul3A_66 = arith.constant 200 : i32
        %mul3A_67 = vector.broadcast %mul3A_66 : i32 to vector<16xi32>
        %mul3A_68 = arith.muli %get3A_65, %mul3A_67 : vector<16xi32>
        %add3A_69 = arith.addi %mul3A_68, %get3A_61 : vector<16xi32>
        %sub3A_70 = vector.broadcast %mul3A_19 : i32 to vector<16xi32>
        %sub3A_71 = arith.subi %add3A_69, %sub3A_70 : vector<16xi32>
        tpu.vector_store_idx %arg8[%sub3A_71], %broadcast_in_dim3A_6 {add = true} : memref<40000xf32, #tpu.memory_space<vmem>>[vector<16xi32>], vector<16xf32>,
        %scan3A_72 = arith.constant 3 : i32
        %scan3A_73 = arith.addi %scan3A_27, %scan3A_72 : i32
        %mul3A_74 = arith.constant 16 : i32
        %mul3A_75 = arith.muli %scan3A_73, %mul3A_74 : i32
        %get3A_76 = arith.index_cast %mul3A_75 : i32 to index
        %get3A_77 = tpu.vector_load %arg6[%get3A_76] {strides = array<i32>} : memref<6400xi32, #tpu.memory_space<vmem>>, vector<16xi32>,
        %mul3A_78 = arith.constant 16 : i32
        %mul3A_79 = arith.muli %scan3A_73, %mul3A_78 : i32
        %get3A_80 = arith.index_cast %mul3A_79 : i32 to index
        %get3A_81 = tpu.vector_load %arg7[%get3A_80] {strides = array<i32>} : memref<6400xi32, #tpu.memory_space<vmem>>, vector<16xi32>,
        %mul3A_82 = arith.constant 200 : i32
        %mul3A_83 = vector.broadcast %mul3A_82 : i32 to vector<16xi32>
        %mul3A_84 = arith.muli %get3A_81, %mul3A_83 : vector<16xi32>
        %add3A_85 = arith.addi %mul3A_84, %get3A_77 : vector<16xi32>
        %sub3A_86 = vector.broadcast %mul3A_19 : i32 to vector<16xi32>
        %sub3A_87 = arith.subi %add3A_85, %sub3A_86 : vector<16xi32>
        tpu.vector_store_idx %arg8[%sub3A_87], %broadcast_in_dim3A_6 {add = true} : memref<40000xf32, #tpu.memory_space<vmem>>[vector<16xi32>], vector<16xf32>,
        %scan3A_88 = arith.constant 4 : i32
        %scan3A_89 = arith.addi %scan3A_27, %scan3A_88 : i32
        %mul3A_90 = arith.constant 16 : i32
        %mul3A_91 = arith.muli %scan3A_89, %mul3A_90 : i32
        %get3A_92 = arith.index_cast %mul3A_91 : i32 to index
        %get3A_93 = tpu.vector_load %arg6[%get3A_92] {strides = array<i32>} : memref<6400xi32, #tpu.memory_space<vmem>>, vector<16xi32>,
        %mul3A_94 = arith.constant 16 : i32
        %mul3A_95 = arith.muli %scan3A_89, %mul3A_94 : i32
        %get3A_96 = arith.index_cast %mul3A_95 : i32 to index
        %get3A_97 = tpu.vector_load %arg7[%get3A_96] {strides = array<i32>} : memref<6400xi32, #tpu.memory_space<vmem>>, vector<16xi32>,
        %mul3A_98 = arith.constant 200 : i32
        %mul3A_99 = vector.broadcast %mul3A_98 : i32 to vector<16xi32>
        %mul3A_100 = arith.muli %get3A_97, %mul3A_99 : vector<16xi32>
        %add3A_101 = arith.addi %mul3A_100, %get3A_93 : vector<16xi32>
        %sub3A_102 = vector.broadcast %mul3A_19 : i32 to vector<16xi32>
        %sub3A_103 = arith.subi %add3A_101, %sub3A_102 : vector<16xi32>
        tpu.vector_store_idx %arg8[%sub3A_103], %broadcast_in_dim3A_6 {add = true} : memref<40000xf32, #tpu.memory_space<vmem>>[vector<16xi32>], vector<16xf32>,
        %scan3A_104 = arith.constant 5 : i32
        %scan3A_105 = arith.addi %scan3A_27, %scan3A_104 : i32
        %mul3A_106 = arith.constant 16 : i32
        %mul3A_107 = arith.muli %scan3A_105, %mul3A_106 : i32
        %get3A_108 = arith.index_cast %mul3A_107 : i32 to index
        %get3A_109 = tpu.vector_load %arg6[%get3A_108] {strides = array<i32>} : memref<6400xi32, #tpu.memory_space<vmem>>, vector<16xi32>,
        %mul3A_110 = arith.constant 16 : i32
        %mul3A_111 = arith.muli %scan3A_105, %mul3A_110 : i32
        %get3A_112 = arith.index_cast %mul3A_111 : i32 to index
        %get3A_113 = tpu.vector_load %arg7[%get3A_112] {strides = array<i32>} : memref<6400xi32, #tpu.memory_space<vmem>>, vector<16xi32>,
        %mul3A_114 = arith.constant 200 : i32
        %mul3A_115 = vector.broadcast %mul3A_114 : i32 to vector<16xi32>
        %mul3A_116 = arith.muli %get3A_113, %mul3A_115 : vector<16xi32>
        %add3A_117 = arith.addi %mul3A_116, %get3A_109 : vector<16xi32>
        %sub3A_118 = vector.broadcast %mul3A_19 : i32 to vector<16xi32>
        %sub3A_119 = arith.subi %add3A_117, %sub3A_118 : vector<16xi32>
        tpu.vector_store_idx %arg8[%sub3A_119], %broadcast_in_dim3A_6 {add = true} : memref<40000xf32, #tpu.memory_space<vmem>>[vector<16xi32>], vector<16xf32>,
        %scan3A_120 = arith.constant 6 : i32
        %scan3A_121 = arith.addi %scan3A_27, %scan3A_120 : i32
        %mul3A_122 = arith.constant 16 : i32
        %mul3A_123 = arith.muli %scan3A_121, %mul3A_122 : i32
        %get3A_124 = arith.index_cast %mul3A_123 : i32 to index
        %get3A_125 = tpu.vector_load %arg6[%get3A_124] {strides = array<i32>} : memref<6400xi32, #tpu.memory_space<vmem>>, vector<16xi32>,
        %mul3A_126 = arith.constant 16 : i32
        %mul3A_127 = arith.muli %scan3A_121, %mul3A_126 : i32
        %get3A_128 = arith.index_cast %mul3A_127 : i32 to index
        %get3A_129 = tpu.vector_load %arg7[%get3A_128] {strides = array<i32>} : memref<6400xi32, #tpu.memory_space<vmem>>, vector<16xi32>,
        %mul3A_130 = arith.constant 200 : i32
        %mul3A_131 = vector.broadcast %mul3A_130 : i32 to vector<16xi32>
        %mul3A_132 = arith.muli %get3A_129, %mul3A_131 : vector<16xi32>
        %add3A_133 = arith.addi %mul3A_132, %get3A_125 : vector<16xi32>
        %sub3A_134 = vector.broadcast %mul3A_19 : i32 to vector<16xi32>
        %sub3A_135 = arith.subi %add3A_133, %sub3A_134 : vector<16xi32>
        tpu.vector_store_idx %arg8[%sub3A_135], %broadcast_in_dim3A_6 {add = true} : memref<40000xf32, #tpu.memory_space<vmem>>[vector<16xi32>], vector<16xf32>,
        %scan3A_136 = arith.constant 7 : i32
        %scan3A_137 = arith.addi %scan3A_27, %scan3A_136 : i32
        %mul3A_138 = arith.constant 16 : i32
        %mul3A_139 = arith.muli %scan3A_137, %mul3A_138 : i32
        %get3A_140 = arith.index_cast %mul3A_139 : i32 to index
        %get3A_141 = tpu.vector_load %arg6[%get3A_140] {strides = array<i32>} : memref<6400xi32, #tpu.memory_space<vmem>>, vector<16xi32>,
        %mul3A_142 = arith.constant 16 : i32
        %mul3A_143 = arith.muli %scan3A_137, %mul3A_142 : i32
        %get3A_144 = arith.index_cast %mul3A_143 : i32 to index
        %get3A_145 = tpu.vector_load %arg7[%get3A_144] {strides = array<i32>} : memref<6400xi32, #tpu.memory_space<vmem>>, vector<16xi32>,
        %mul3A_146 = arith.constant 200 : i32
        %mul3A_147 = vector.broadcast %mul3A_146 : i32 to vector<16xi32>
        %mul3A_148 = arith.muli %get3A_145, %mul3A_147 : vector<16xi32>
        %add3A_149 = arith.addi %mul3A_148, %get3A_141 : vector<16xi32>
        %sub3A_150 = vector.broadcast %mul3A_19 : i32 to vector<16xi32>
        %sub3A_151 = arith.subi %add3A_149, %sub3A_150 : vector<16xi32>
        tpu.vector_store_idx %arg8[%sub3A_151], %broadcast_in_dim3A_6 {add = true} : memref<40000xf32, #tpu.memory_space<vmem>>[vector<16xi32>], vector<16xf32>,
      }
      %scan3A_24 = arith.constant 400 : i32
      %mul3A_25 = arith.constant 40000 : i32
      %mul3A_26 = arith.muli %add3A_15, %mul3A_25 : i32
      "tpu.region"() ({
        %run_scoped3A = tpu.sem_alloc : memref<!tpu.dma_semaphore, #tpu.memory_space<semaphore_mem>>
        %dma_start3A = arith.constant 0 : i32
        %dma_start3A_27 = tpu.memref_slice %arg8[%dma_start3A] : memref<40000xf32, #tpu.memory_space<vmem>> -> memref<40000xf32, #tpu.memory_space<vmem>>
        %dma_start3A_28 = tpu.memref_slice %arg5[%mul3A_26] : memref<2000000xf32, #tpu.memory_space<hbm>> -> memref<40000xf32, #tpu.memory_space<hbm>>
        %dma_start3A_29 = tpu.memref_slice %arg5[%mul3A_26] : memref<2000000xf32, #tpu.memory_space<hbm>> -> memref<40000xf32, #tpu.memory_space<hbm>>
        %dma_start3A_30 = arith.constant 0 : i32
        %dma_start3A_31 = tpu.memref_slice %arg8[%dma_start3A_30] : memref<40000xf32, #tpu.memory_space<vmem>> -> memref<40000xf32, #tpu.memory_space<vmem>>
        tpu.enqueue_dma source(%dma_start3A_31 : memref<40000xf32, #tpu.memory_space<vmem>>) target(%dma_start3A_29 : memref<40000xf32, #tpu.memory_space<hbm>>) target_semaphore(%run_scoped3A : memref<!tpu.dma_semaphore, #tpu.memory_space<semaphore_mem>>)
        %dma_wait3A = arith.constant 0 : i32
        %dma_wait3A_32 = tpu.memref_slice %arg8[%dma_wait3A] : memref<40000xf32, #tpu.memory_space<vmem>> -> memref<40000xf32, #tpu.memory_space<vmem>>
        %dma_wait3A_33 = tpu.memref_slice %arg5[%mul3A_26] : memref<2000000xf32, #tpu.memory_space<hbm>> -> memref<40000xf32, #tpu.memory_space<hbm>>
        %dma_wait3A_34 = tpu.memref_slice %arg5[%mul3A_26] : memref<2000000xf32, #tpu.memory_space<hbm>> -> memref<40000xf32, #tpu.memory_space<hbm>>
        %dma_wait3A_35 = arith.constant 0 : i32
        %dma_wait3A_36 = tpu.memref_slice %arg8[%dma_wait3A_35] : memref<40000xf32, #tpu.memory_space<vmem>> -> memref<40000xf32, #tpu.memory_space<vmem>>
        tpu.wait_dma2 semaphore(%run_scoped3A : memref<!tpu.dma_semaphore, #tpu.memory_space<semaphore_mem>>) src(%dma_wait3A_36 : memref<40000xf32, #tpu.memory_space<vmem>>) dst(%dma_wait3A_34 : memref<40000xf32, #tpu.memory_space<hbm>>)
        tpu.yield
      }) : () -> ()
    } else {
    }
    return
  }
}

module attributes {stable_mosaic.version = 14 : i64} {
  func.func @_tc_body(%arg0: i32, %arg1: i32, %arg2: memref<2x200x200xf32, #tpu.memory_space<vmem>>, %arg3: memref<2x200x128xf32, #tpu.memory_space<vmem>>, %arg4: memref<128x128xf32, #tpu.memory_space<vmem>>, %arg5: memref<1x128xf32, #tpu.memory_space<vmem>>, %arg6: memref<128x1xf32, #tpu.memory_space<vmem>>, %arg7: memref<1x128xf32, #tpu.memory_space<vmem>>, %arg8: memref<1x128xf32, #tpu.memory_space<vmem>>, %arg9: memref<1x128xf32, #tpu.memory_space<vmem>>, %arg10: memref<128x128xf32, #tpu.memory_space<vmem>>, %arg11: memref<1x128xf32, #tpu.memory_space<vmem>>, %arg12: memref<128x1xf32, #tpu.memory_space<vmem>>, %arg13: memref<1x128xf32, #tpu.memory_space<vmem>>, %arg14: memref<128x128xf32, #tpu.memory_space<vmem>>, %arg15: memref<1x128xf32, #tpu.memory_space<vmem>>, %arg16: memref<256x128xf32, #tpu.memory_space<vmem>>, %arg17: memref<1x128xf32, #tpu.memory_space<vmem>>, %arg18: memref<128x64xf32, #tpu.memory_space<vmem>>, %arg19: memref<1x64xf32, #tpu.memory_space<vmem>>, %arg20: memref<64x10xf32, #tpu.memory_space<vmem>>, %arg21: memref<1x10xf32, #tpu.memory_space<vmem>>, %arg22: memref<2x200x128xf32, #tpu.memory_space<vmem>>, %arg23: memref<50x64xf32, #tpu.memory_space<vmem>>, %arg24: memref<50x10xf32, #tpu.memory_space<vmem>>, %arg25: memref<50x200x128xf32, #tpu.memory_space<vmem>>, %arg26: memref<50x100x128xf32, #tpu.memory_space<vmem>>, %arg27: memref<50x100x100xf32, #tpu.memory_space<vmem>>, %arg28: memref<50x1x256xf32, #tpu.memory_space<vmem>>, %arg29: memref<50x1x256xf32, #tpu.memory_space<vmem>>, %arg30: memref<1x128xf32, #tpu.memory_space<vmem>>, %arg31: memref<1x128xf32, #tpu.memory_space<vmem>>) attributes {dimension_semantics = [#tpu.dimension_semantics<arbitrary>, #tpu.dimension_semantics<arbitrary>], iteration_bounds = array<i64: 2, 25>, scalar_prefetch = 0 : i64, scratch_operands = 7 : i64, tpu.core_type = #tpu.core_type<tc>, window_params = [{transform_indices = @transform_0, window_bounds = array<i64: 2, 200, 200>}, {transform_indices = @transform_1, window_bounds = array<i64: 2, 200, 128>}, {pipeline_mode = #tpu.pipeline_mode<synchronous>, transform_indices = @transform_2, window_bounds = array<i64: 128, 128>}, {pipeline_mode = #tpu.pipeline_mode<synchronous>, transform_indices = @transform_3, window_bounds = array<i64: 1, 128>}, {pipeline_mode = #tpu.pipeline_mode<synchronous>, transform_indices = @transform_4, window_bounds = array<i64: 128, 1>}, {pipeline_mode = #tpu.pipeline_mode<synchronous>, transform_indices = @transform_5, window_bounds = array<i64: 1, 128>}, {pipeline_mode = #tpu.pipeline_mode<synchronous>, transform_indices = @transform_6, window_bounds = array<i64: 1, 128>}, {pipeline_mode = #tpu.pipeline_mode<synchronous>, transform_indices = @transform_7, window_bounds = array<i64: 1, 128>}, {pipeline_mode = #tpu.pipeline_mode<synchronous>, transform_indices = @transform_8, window_bounds = array<i64: 128, 128>}, {pipeline_mode = #tpu.pipeline_mode<synchronous>, transform_indices = @transform_9, window_bounds = array<i64: 1, 128>}, {pipeline_mode = #tpu.pipeline_mode<synchronous>, transform_indices = @transform_10, window_bounds = array<i64: 128, 1>}, {pipeline_mode = #tpu.pipeline_mode<synchronous>, transform_indices = @transform_11, window_bounds = array<i64: 1, 128>}, {pipeline_mode = #tpu.pipeline_mode<synchronous>, transform_indices = @transform_12, window_bounds = array<i64: 128, 128>}, {pipeline_mode = #tpu.pipeline_mode<synchronous>, transform_indices = @transform_13, window_bounds = array<i64: 1, 128>}, {pipeline_mode = #tpu.pipeline_mode<synchronous>, transform_indices = @transform_14, window_bounds = array<i64: 256, 128>}, {pipeline_mode = #tpu.pipeline_mode<synchronous>, transform_indices = @transform_15, window_bounds = array<i64: 1, 128>}, {pipeline_mode = #tpu.pipeline_mode<synchronous>, transform_indices = @transform_16, window_bounds = array<i64: 128, 64>}, {pipeline_mode = #tpu.pipeline_mode<synchronous>, transform_indices = @transform_17, window_bounds = array<i64: 1, 64>}, {pipeline_mode = #tpu.pipeline_mode<synchronous>, transform_indices = @transform_18, window_bounds = array<i64: 64, 10>}, {pipeline_mode = #tpu.pipeline_mode<synchronous>, transform_indices = @transform_19, window_bounds = array<i64: 1, 10>}, {transform_indices = @transform_20, window_bounds = array<i64: 2, 200, 128>}, {pipeline_mode = #tpu.pipeline_mode<synchronous>, transform_indices = @transform_21, window_bounds = array<i64: 50, 64>}, {pipeline_mode = #tpu.pipeline_mode<synchronous>, transform_indices = @transform_22, window_bounds = array<i64: 50, 10>}]} {
    %eq3A = arith.constant 0 : i32
    %eq3A_0 = arith.cmpi eq, %arg0, %eq3A : i32
    %convert_element_type3A = arith.extui %eq3A_0 : i1 to i32
    %cond3A = arith.constant 0 : i32
    %cond3A_1 = arith.cmpi ne, %convert_element_type3A, %cond3A : i32
    scf.if %cond3A_1 {
      %eq3A_7 = arith.constant 0 : i32
      %eq3A_8 = arith.cmpi eq, %arg1, %eq3A_7 : i32
      %convert_element_type3A_9 = arith.extui %eq3A_8 : i1 to i32
      %cond3A_10 = arith.constant 0 : i32
      %cond3A_11 = arith.cmpi ne, %convert_element_type3A_9, %cond3A_10 : i32
      scf.if %cond3A_11 {
        %broadcast_in_dim3A_493 = arith.constant 0.000000e+00 : f32
        %broadcast_in_dim3A_494 = vector.broadcast %broadcast_in_dim3A_493 : f32 to vector<1x128xf32>
        %swap3A_495 = arith.constant 0 : index
        %swap3A_496 = arith.constant 0 : index
        %swap3A_497 = vector.load %arg30[%swap3A_495, %swap3A_496] : memref<1x128xf32, #tpu.memory_space<vmem>>, vector<1x128xf32>
        tpu.vector_store %arg30[%swap3A_495, %swap3A_496], %broadcast_in_dim3A_494 {strides = array<i32>} : memref<1x128xf32, #tpu.memory_space<vmem>>, vector<1x128xf32>,
        %broadcast_in_dim3A_498 = arith.constant 0.000000e+00 : f32
        %broadcast_in_dim3A_499 = vector.broadcast %broadcast_in_dim3A_498 : f32 to vector<1x128xf32>
        %swap3A_500 = arith.constant 0 : index
        %swap3A_501 = arith.constant 0 : index
        %swap3A_502 = vector.load %arg31[%swap3A_500, %swap3A_501] : memref<1x128xf32, #tpu.memory_space<vmem>>, vector<1x128xf32>
        tpu.vector_store %arg31[%swap3A_500, %swap3A_501], %broadcast_in_dim3A_499 {strides = array<i32>} : memref<1x128xf32, #tpu.memory_space<vmem>>, vector<1x128xf32>,
      } else {
      }
      %mul3A = arith.constant 2 : i32
      %mul3A_12 = arith.muli %mul3A, %arg1 : i32
      %add3A = arith.constant 0 : i32
      %add3A_13 = arith.addi %mul3A_12, %add3A : i32
      %get3A = arith.constant 0 : index
      %get3A_14 = arith.constant 0 : index
      %get3A_15 = arith.constant 0 : index
      %get3A_16 = vector.load %arg2[%get3A, %get3A_14, %get3A_15] : memref<2x200x200xf32, #tpu.memory_space<vmem>>, vector<1x200x200xf32>
      %get3A_17 = vector.shape_cast %get3A_16 : vector<1x200x200xf32> to vector<200x200xf32>
      %get3A_18 = arith.constant 0 : index
      %get3A_19 = arith.constant 0 : index
      %get3A_20 = arith.constant 0 : index
      %get3A_21 = vector.load %arg3[%get3A_18, %get3A_19, %get3A_20] : memref<2x200x128xf32, #tpu.memory_space<vmem>>, vector<1x200x128xf32>
      %get3A_22 = vector.shape_cast %get3A_21 : vector<1x200x128xf32> to vector<200x128xf32>
      %reduce_sum3A = arith.constant dense<0.000000e+00> : vector<200xf32>
      %reduce_sum3A_23 = vector.multi_reduction <add>, %get3A_17, %reduce_sum3A [1] : vector<200x200xf32> to vector<200xf32>
      %broadcast_in_dim3A = vector.shape_cast %reduce_sum3A_23 : vector<200xf32> to vector<200x1xf32>
      %add3A_24 = arith.constant 1.000000e+00 : f32
      %add3A_25 = vector.broadcast %add3A_24 : f32 to vector<200x1xf32>
      %add3A_26 = arith.addf %broadcast_in_dim3A, %add3A_25 : vector<200x1xf32>
      %rsqrt3A = math.rsqrt %add3A_26 : vector<200x1xf32>
      %mul3A_27 = vector.broadcast %rsqrt3A : vector<200x1xf32> to vector<200x128xf32>
      %mul3A_28 = arith.mulf %get3A_22, %mul3A_27 : vector<200x128xf32>
      %convert_element_type3A_29 = arith.truncf %mul3A_28 : vector<200x128xf32> to vector<200x128xbf16>
      %convert_element_type3A_30 = arith.extf %convert_element_type3A_29 : vector<200x128xbf16> to vector<200x128xf32>
      %sub3A = arith.subf %mul3A_28, %convert_element_type3A_30 : vector<200x128xf32>
      %convert_element_type3A_31 = arith.truncf %sub3A : vector<200x128xf32> to vector<200x128xbf16>
      %convert_element_type3A_32 = arith.extf %convert_element_type3A_31 : vector<200x128xbf16> to vector<200x128xf32>
      %sub3A_33 = arith.subf %sub3A, %convert_element_type3A_32 : vector<200x128xf32>
      %convert_element_type3A_34 = arith.truncf %sub3A_33 : vector<200x128xf32> to vector<200x128xbf16>
      %convert_element_type3A_35 = arith.truncf %get3A_17 : vector<200x200xf32> to vector<200x200xbf16>
      %dot_general3A = arith.constant dense<0.000000e+00> : vector<200x128xf32>
      %dot_general3A_36 = tpu.matmul %convert_element_type3A_35, %convert_element_type3A_29, %dot_general3A {dimension_numbers = #tpu.dot_dimension_numbers<[1], [0], [0], [1], [0, 0, 1, 1], [], []>, transpose_lhs_hint = false} : vector<200x200xbf16>, vector<200x128xbf16>, vector<200x128xf32> -> vector<200x128xf32>
      %dot_general3A_37 = arith.constant dense<0.000000e+00> : vector<200x128xf32>
      %dot_general3A_38 = tpu.matmul %convert_element_type3A_35, %convert_element_type3A_31, %dot_general3A_37 {dimension_numbers = #tpu.dot_dimension_numbers<[1], [0], [0], [1], [0, 0, 1, 1], [], []>, transpose_lhs_hint = false} : vector<200x200xbf16>, vector<200x128xbf16>, vector<200x128xf32> -> vector<200x128xf32>
      %add3A_39 = arith.addf %dot_general3A_36, %dot_general3A_38 : vector<200x128xf32>
      %dot_general3A_40 = arith.constant dense<0.000000e+00> : vector<200x128xf32>
      %dot_general3A_41 = tpu.matmul %convert_element_type3A_35, %convert_element_type3A_34, %dot_general3A_40 {dimension_numbers = #tpu.dot_dimension_numbers<[1], [0], [0], [1], [0, 0, 1, 1], [], []>, transpose_lhs_hint = false} : vector<200x200xbf16>, vector<200x128xbf16>, vector<200x128xf32> -> vector<200x128xf32>
      %add3A_42 = arith.addf %add3A_39, %dot_general3A_41 : vector<200x128xf32>
      %mul3A_43 = vector.broadcast %rsqrt3A : vector<200x1xf32> to vector<200x128xf32>
      %mul3A_44 = arith.mulf %mul3A_43, %add3A_42 : vector<200x128xf32>
      %mul3A_45 = arith.mulf %rsqrt3A, %rsqrt3A : vector<200x1xf32>
      %mul3A_46 = vector.broadcast %mul3A_45 : vector<200x1xf32> to vector<200x128xf32>
      %mul3A_47 = arith.mulf %mul3A_46, %get3A_22 : vector<200x128xf32>
      %add3A_48 = arith.addf %mul3A_44, %mul3A_47 : vector<200x128xf32>
      %get3A_49 = arith.constant 0 : index
      %get3A_50 = arith.constant 0 : index
      %get3A_51 = vector.load %arg4[%get3A_49, %get3A_50] : memref<128x128xf32, #tpu.memory_space<vmem>>, vector<128x128xf32>
      %convert_element_type3A_52 = arith.truncf %add3A_48 : vector<200x128xf32> to vector<200x128xbf16>
      %convert_element_type3A_53 = arith.truncf %get3A_51 : vector<128x128xf32> to vector<128x128xbf16>
      %dot_general3A_54 = arith.constant dense<0.000000e+00> : vector<200x128xf32>
      %dot_general3A_55 = tpu.matmul %convert_element_type3A_52, %convert_element_type3A_53, %dot_general3A_54 {dimension_numbers = #tpu.dot_dimension_numbers<[1], [0], [0], [1], [0, 0, 1, 1], [], []>, transpose_lhs_hint = false} : vector<200x128xbf16>, vector<128x128xbf16>, vector<200x128xf32> -> vector<200x128xf32>
      %get3A_56 = arith.constant 0 : index
      %get3A_57 = arith.constant 0 : index
      %get3A_58 = vector.load %arg5[%get3A_56, %get3A_57] : memref<1x128xf32, #tpu.memory_space<vmem>>, vector<1x128xf32>
      %add3A_59 = vector.broadcast %get3A_58 : vector<1x128xf32> to vector<200x128xf32>
      %add3A_60 = arith.addf %dot_general3A_55, %add3A_59 : vector<200x128xf32>
      %max3A = arith.constant 0.000000e+00 : f32
      %max3A_61 = vector.broadcast %max3A : f32 to vector<200x128xf32>
      %max3A_62 = arith.maximumf %add3A_60, %max3A_61 : vector<200x128xf32>
      %swap3A = arith.index_cast %add3A_13 : i32 to index
      %swap3A_63 = arith.constant 0 : index
      %swap3A_64 = arith.constant 0 : index
      %swap3A_65 = vector.load %arg25[%swap3A, %swap3A_63, %swap3A_64] : memref<50x200x128xf32, #tpu.memory_space<vmem>>, vector<1x200x128xf32>
      %swap3A_66 = vector.shape_cast %swap3A_65 : vector<1x200x128xf32> to vector<200x128xf32>
      %swap3A_67 = vector.shape_cast %max3A_62 : vector<200x128xf32> to vector<1x200x128xf32>
      tpu.vector_store %arg25[%swap3A, %swap3A_63, %swap3A_64], %swap3A_67 {strides = array<i32>} : memref<50x200x128xf32, #tpu.memory_space<vmem>>, vector<1x200x128xf32>,
      %max3A_68 = arith.constant 1.000000e+00 : f32
      %max3A_69 = vector.broadcast %max3A_68 : f32 to vector<200x1xf32>
      %max3A_70 = arith.maximumf %broadcast_in_dim3A, %max3A_69 : vector<200x1xf32>
      %convert_element_type3A_71 = arith.truncf %max3A_62 : vector<200x128xf32> to vector<200x128xbf16>
      %convert_element_type3A_72 = arith.extf %convert_element_type3A_71 : vector<200x128xbf16> to vector<200x128xf32>
      %sub3A_73 = arith.subf %max3A_62, %convert_element_type3A_72 : vector<200x128xf32>
      %convert_element_type3A_74 = arith.truncf %sub3A_73 : vector<200x128xf32> to vector<200x128xbf16>
      %convert_element_type3A_75 = arith.extf %convert_element_type3A_74 : vector<200x128xbf16> to vector<200x128xf32>
      %sub3A_76 = arith.subf %sub3A_73, %convert_element_type3A_75 : vector<200x128xf32>
      %convert_element_type3A_77 = arith.truncf %sub3A_76 : vector<200x128xf32> to vector<200x128xbf16>
      %convert_element_type3A_78 = arith.truncf %get3A_17 : vector<200x200xf32> to vector<200x200xbf16>
      %dot_general3A_79 = arith.constant dense<0.000000e+00> : vector<200x128xf32>
      %dot_general3A_80 = tpu.matmul %convert_element_type3A_78, %convert_element_type3A_71, %dot_general3A_79 {dimension_numbers = #tpu.dot_dimension_numbers<[1], [0], [0], [1], [0, 0, 1, 1], [], []>, transpose_lhs_hint = false} : vector<200x200xbf16>, vector<200x128xbf16>, vector<200x128xf32> -> vector<200x128xf32>
      %dot_general3A_81 = arith.constant dense<0.000000e+00> : vector<200x128xf32>
      %dot_general3A_82 = tpu.matmul %convert_element_type3A_78, %convert_element_type3A_74, %dot_general3A_81 {dimension_numbers = #tpu.dot_dimension_numbers<[1], [0], [0], [1], [0, 0, 1, 1], [], []>, transpose_lhs_hint = false} : vector<200x200xbf16>, vector<200x128xbf16>, vector<200x128xf32> -> vector<200x128xf32>
      %add3A_83 = arith.addf %dot_general3A_80, %dot_general3A_82 : vector<200x128xf32>
      %dot_general3A_84 = arith.constant dense<0.000000e+00> : vector<200x128xf32>
      %dot_general3A_85 = tpu.matmul %convert_element_type3A_78, %convert_element_type3A_77, %dot_general3A_84 {dimension_numbers = #tpu.dot_dimension_numbers<[1], [0], [0], [1], [0, 0, 1, 1], [], []>, transpose_lhs_hint = false} : vector<200x200xbf16>, vector<200x128xbf16>, vector<200x128xf32> -> vector<200x128xf32>
      %add3A_86 = arith.addf %add3A_83, %dot_general3A_85 : vector<200x128xf32>
      %div3A = vector.broadcast %max3A_70 : vector<200x1xf32> to vector<200x128xf32>
      %div3A_87 = arith.divf %add3A_86, %div3A : vector<200x128xf32>
      %sub3A_88 = arith.subf %max3A_62, %div3A_87 : vector<200x128xf32>
      %abs3A = math.absf %sub3A_88 : vector<200x128xf32>
      %reduce_sum3A_89 = arith.constant dense<0.000000e+00> : vector<200xf32>
      %reduce_sum3A_90 = vector.multi_reduction <add>, %abs3A, %reduce_sum3A_89 [1] : vector<200x128xf32> to vector<200xf32>
      %broadcast_in_dim3A_91 = vector.shape_cast %reduce_sum3A_90 : vector<200xf32> to vector<200x1xf32>
      %iota3A = tpu.iota {dimensions = array<i32: 0>} : vector<200x200xi32>
      %iota3A_92 = tpu.iota {dimensions = array<i32: 1>} : vector<200x200xi32>
      %eq3A_93 = arith.cmpi eq, %iota3A, %iota3A_92 : vector<200x200xi32>
      %convert_element_type3A_94 = arith.extui %eq3A_93 : vector<200x200xi1> to vector<200x200xi32>
      %convert_element_type3A_95 = arith.sitofp %convert_element_type3A_94 : vector<200x200xi32> to vector<200x200xf32>
      %mul3A_96 = vector.broadcast %broadcast_in_dim3A_91 : vector<200x1xf32> to vector<200x200xf32>
      %mul3A_97 = arith.mulf %convert_element_type3A_95, %mul3A_96 : vector<200x200xf32>
      %reduce_sum3A_98 = arith.constant dense<0.000000e+00> : vector<200xf32>
      %reduce_sum3A_99 = vector.multi_reduction <add>, %mul3A_97, %reduce_sum3A_98 [0] : vector<200x200xf32> to vector<200xf32>
      %broadcast_in_dim3A_100 = vector.shape_cast %reduce_sum3A_99 : vector<200xf32> to vector<1x200xf32>
      %gt3A = vector.broadcast %broadcast_in_dim3A_100 : vector<1x200xf32> to vector<200x200xf32>
      %gt3A_101 = vector.broadcast %broadcast_in_dim3A_91 : vector<200x1xf32> to vector<200x200xf32>
      %gt3A_102 = arith.cmpf ogt, %gt3A, %gt3A_101 : vector<200x200xf32>
      %convert_element_type3A_103 = arith.extui %gt3A_102 : vector<200x200xi1> to vector<200x200xi32>
      %convert_element_type3A_104 = arith.sitofp %convert_element_type3A_103 : vector<200x200xi32> to vector<200x200xf32>
      %iota3A_105 = tpu.iota {dimensions = array<i32: 1>} : vector<200x200xi32>
      %iota3A_106 = tpu.iota {dimensions = array<i32: 0>} : vector<200x200xi32>
      %lt3A = arith.cmpi slt, %iota3A_105, %iota3A_106 : vector<200x200xi32>
      %eq3A_107 = vector.broadcast %broadcast_in_dim3A_100 : vector<1x200xf32> to vector<200x200xf32>
      %eq3A_108 = vector.broadcast %broadcast_in_dim3A_91 : vector<200x1xf32> to vector<200x200xf32>
      %eq3A_109 = arith.cmpf oeq, %eq3A_107, %eq3A_108 : vector<200x200xf32>
      %and3A = arith.andi %eq3A_109, %lt3A : vector<200x200xi1>
      %convert_element_type3A_110 = arith.extui %and3A : vector<200x200xi1> to vector<200x200xi32>
      %convert_element_type3A_111 = arith.sitofp %convert_element_type3A_110 : vector<200x200xi32> to vector<200x200xf32>
      %add3A_112 = arith.addf %convert_element_type3A_104, %convert_element_type3A_111 : vector<200x200xf32>
      %reduce_sum3A_113 = arith.constant dense<0.000000e+00> : vector<200xf32>
      %reduce_sum3A_114 = vector.multi_reduction <add>, %add3A_112, %reduce_sum3A_113 [1] : vector<200x200xf32> to vector<200xf32>
      %broadcast_in_dim3A_115 = vector.shape_cast %reduce_sum3A_114 : vector<200xf32> to vector<200x1xf32>
      %iota3A_116 = tpu.iota {dimensions = array<i32: 0>} : vector<200x200xi32>
      %iota3A_117 = tpu.iota {dimensions = array<i32: 1>} : vector<200x200xi32>
      %eq3A_118 = arith.cmpi eq, %iota3A_116, %iota3A_117 : vector<200x200xi32>
      %convert_element_type3A_119 = arith.extui %eq3A_118 : vector<200x200xi1> to vector<200x200xi32>
      %convert_element_type3A_120 = arith.sitofp %convert_element_type3A_119 : vector<200x200xi32> to vector<200x200xf32>
      %mul3A_121 = vector.broadcast %broadcast_in_dim3A_115 : vector<200x1xf32> to vector<200x200xf32>
      %mul3A_122 = arith.mulf %convert_element_type3A_120, %mul3A_121 : vector<200x200xf32>
      %reduce_sum3A_123 = arith.constant dense<0.000000e+00> : vector<200xf32>
      %reduce_sum3A_124 = vector.multi_reduction <add>, %mul3A_122, %reduce_sum3A_123 [0] : vector<200x200xf32> to vector<200xf32>
      %broadcast_in_dim3A_125 = vector.shape_cast %reduce_sum3A_124 : vector<200xf32> to vector<1x200xf32>
      %iota3A_126 = tpu.iota {dimensions = array<i32: 0>} : vector<100x200xi32>
      %convert_element_type3A_127 = arith.sitofp %iota3A_126 : vector<100x200xi32> to vector<100x200xf32>
      %eq3A_128 = vector.broadcast %broadcast_in_dim3A_125 : vector<1x200xf32> to vector<100x200xf32>
      %eq3A_129 = arith.cmpf oeq, %convert_element_type3A_127, %eq3A_128 : vector<100x200xf32>
      %convert_element_type3A_130 = arith.extui %eq3A_129 : vector<100x200xi1> to vector<100x200xi32>
      %convert_element_type3A_131 = arith.sitofp %convert_element_type3A_130 : vector<100x200xi32> to vector<100x200xf32>
      %mul3A_132 = vector.broadcast %broadcast_in_dim3A_100 : vector<1x200xf32> to vector<100x200xf32>
      %mul3A_133 = arith.mulf %convert_element_type3A_131, %mul3A_132 : vector<100x200xf32>
      %reduce_sum3A_134 = arith.constant dense<0.000000e+00> : vector<100xf32>
      %reduce_sum3A_135 = vector.multi_reduction <add>, %mul3A_133, %reduce_sum3A_134 [1] : vector<100x200xf32> to vector<100xf32>
      %broadcast_in_dim3A_136 = vector.shape_cast %reduce_sum3A_135 : vector<100xf32> to vector<100x1xf32>
      %convert_element_type3A_137 = arith.truncf %convert_element_type3A_131 : vector<100x200xf32> to vector<100x200xbf16>
      %dot_general3A_138 = arith.constant dense<0.000000e+00> : vector<100x128xf32>
      %dot_general3A_139 = tpu.matmul %convert_element_type3A_137, %convert_element_type3A_71, %dot_general3A_138 {dimension_numbers = #tpu.dot_dimension_numbers<[1], [0], [0], [1], [0, 0, 1, 1], [], []>, transpose_lhs_hint = false} : vector<100x200xbf16>, vector<200x128xbf16>, vector<100x128xf32> -> vector<100x128xf32>
      %dot_general3A_140 = arith.constant dense<0.000000e+00> : vector<100x128xf32>
      %dot_general3A_141 = tpu.matmul %convert_element_type3A_137, %convert_element_type3A_74, %dot_general3A_140 {dimension_numbers = #tpu.dot_dimension_numbers<[1], [0], [0], [1], [0, 0, 1, 1], [], []>, transpose_lhs_hint = false} : vector<100x200xbf16>, vector<200x128xbf16>, vector<100x128xf32> -> vector<100x128xf32>
      %add3A_142 = arith.addf %dot_general3A_139, %dot_general3A_141 : vector<100x128xf32>
      %dot_general3A_143 = arith.constant dense<0.000000e+00> : vector<100x128xf32>
      %dot_general3A_144 = tpu.matmul %convert_element_type3A_137, %convert_element_type3A_77, %dot_general3A_143 {dimension_numbers = #tpu.dot_dimension_numbers<[1], [0], [0], [1], [0, 0, 1, 1], [], []>, transpose_lhs_hint = false} : vector<100x200xbf16>, vector<200x128xbf16>, vector<100x128xf32> -> vector<100x128xf32>
      %add3A_145 = arith.addf %add3A_142, %dot_general3A_144 : vector<100x128xf32>
      %tanh3A = math.tanh %broadcast_in_dim3A_136 : vector<100x1xf32>
      %mul3A_146 = vector.broadcast %tanh3A : vector<100x1xf32> to vector<100x128xf32>
      %mul3A_147 = arith.mulf %add3A_145, %mul3A_146 : vector<100x128xf32>
      %swap3A_148 = arith.index_cast %add3A_13 : i32 to index
      %swap3A_149 = arith.constant 0 : index
      %swap3A_150 = arith.constant 0 : index
      %swap3A_151 = vector.load %arg26[%swap3A_148, %swap3A_149, %swap3A_150] : memref<50x100x128xf32, #tpu.memory_space<vmem>>, vector<1x100x128xf32>
      %swap3A_152 = vector.shape_cast %swap3A_151 : vector<1x100x128xf32> to vector<100x128xf32>
      %swap3A_153 = vector.shape_cast %mul3A_147 : vector<100x128xf32> to vector<1x100x128xf32>
      tpu.vector_store %arg26[%swap3A_148, %swap3A_149, %swap3A_150], %swap3A_153 {strides = array<i32>} : memref<50x100x128xf32, #tpu.memory_space<vmem>>, vector<1x100x128xf32>,
      %convert_element_type3A_154 = arith.truncf %convert_element_type3A_131 : vector<100x200xf32> to vector<100x200xbf16>
      %convert_element_type3A_155 = arith.truncf %get3A_17 : vector<200x200xf32> to vector<200x200xbf16>
      %dot_general3A_156 = arith.constant dense<0.000000e+00> : vector<100x200xf32>
      %dot_general3A_157 = tpu.matmul %convert_element_type3A_154, %convert_element_type3A_155, %dot_general3A_156 {dimension_numbers = #tpu.dot_dimension_numbers<[1], [1], [0], [0], [0, 0, 1, 0], [], []>, transpose_lhs_hint = false} : vector<100x200xbf16>, vector<200x200xbf16>, vector<100x200xf32> -> vector<100x200xf32>
      %convert_element_type3A_158 = arith.truncf %dot_general3A_157 : vector<100x200xf32> to vector<100x200xbf16>
      %convert_element_type3A_159 = arith.truncf %convert_element_type3A_131 : vector<100x200xf32> to vector<100x200xbf16>
      %dot_general3A_160 = arith.constant dense<0.000000e+00> : vector<100x100xf32>
      %dot_general3A_161 = tpu.matmul %convert_element_type3A_158, %convert_element_type3A_159, %dot_general3A_160 {dimension_numbers = #tpu.dot_dimension_numbers<[1], [1], [0], [0], [0, 0, 1, 0], [], []>, transpose_lhs_hint = false} : vector<100x200xbf16>, vector<100x200xbf16>, vector<100x100xf32> -> vector<100x100xf32>
      %get3A_162 = arith.constant 0 : index
      %get3A_163 = arith.constant 0 : index
      %get3A_164 = vector.load %arg6[%get3A_162, %get3A_163] : memref<128x1xf32, #tpu.memory_space<vmem>>, vector<128x1xf32>
      %convert_element_type3A_165 = arith.truncf %mul3A_147 : vector<100x128xf32> to vector<100x128xbf16>
      %convert_element_type3A_166 = arith.truncf %get3A_164 : vector<128x1xf32> to vector<128x1xbf16>
      %dot_general3A_167 = arith.constant dense<0.000000e+00> : vector<100x1xf32>
      %dot_general3A_168 = tpu.matmul %convert_element_type3A_165, %convert_element_type3A_166, %dot_general3A_167 {dimension_numbers = #tpu.dot_dimension_numbers<[1], [0], [0], [1], [0, 0, 1, 1], [], []>, transpose_lhs_hint = false} : vector<100x128xbf16>, vector<128x1xbf16>, vector<100x1xf32> -> vector<100x1xf32>
      %get3A_169 = arith.constant 0 : index
      %get3A_170 = arith.constant 0 : index
      %get3A_171 = vector.load %arg7[%get3A_169, %get3A_170] : memref<1x128xf32, #tpu.memory_space<vmem>>, vector<1x128xf32>
      %convert_element_type3A_172 = arith.truncf %get3A_171 : vector<1x128xf32> to vector<1x128xbf16>
      %convert_element_type3A_173 = arith.truncf %mul3A_147 : vector<100x128xf32> to vector<100x128xbf16>
      %dot_general3A_174 = arith.constant dense<0.000000e+00> : vector<1x100xf32>
      %dot_general3A_175 = tpu.matmul %convert_element_type3A_172, %convert_element_type3A_173, %dot_general3A_174 {dimension_numbers = #tpu.dot_dimension_numbers<[1], [1], [0], [0], [0, 0, 1, 0], [], []>, transpose_lhs_hint = false} : vector<1x128xbf16>, vector<100x128xbf16>, vector<1x100xf32> -> vector<1x100xf32>
      %add3A_176 = vector.broadcast %dot_general3A_168 : vector<100x1xf32> to vector<100x100xf32>
      %add3A_177 = vector.broadcast %dot_general3A_175 : vector<1x100xf32> to vector<100x100xf32>
      %add3A_178 = arith.addf %add3A_176, %add3A_177 : vector<100x100xf32>
      %max3A_179 = arith.constant 0.000000e+00 : f32
      %max3A_180 = vector.broadcast %max3A_179 : f32 to vector<100x100xf32>
      %max3A_181 = arith.maximumf %add3A_178, %max3A_180 : vector<100x100xf32>
      %mul3A_182 = arith.constant 1.000000e+00 : f32
      %mul3A_183 = vector.broadcast %mul3A_182 : f32 to vector<100x100xf32>
      %mul3A_184 = arith.mulf %mul3A_183, %dot_general3A_161 : vector<100x100xf32>
      %add3A_185 = arith.addf %max3A_181, %mul3A_184 : vector<100x100xf32>
      %reduce_max3A = arith.constant dense<0xFF800000> : vector<100xf32>
      %reduce_max3A_186 = vector.multi_reduction <maximumf>, %add3A_185, %reduce_max3A [1] : vector<100x100xf32> to vector<100xf32>
      %broadcast_in_dim3A_187 = vector.shape_cast %reduce_max3A_186 : vector<100xf32> to vector<100x1xf32>
      %sub3A_188 = vector.broadcast %broadcast_in_dim3A_187 : vector<100x1xf32> to vector<100x100xf32>
      %sub3A_189 = arith.subf %add3A_185, %sub3A_188 : vector<100x100xf32>
      %exp3A = math.exp %sub3A_189 : vector<100x100xf32>
      %reduce_sum3A_190 = arith.constant dense<0.000000e+00> : vector<100xf32>
      %reduce_sum3A_191 = vector.multi_reduction <add>, %exp3A, %reduce_sum3A_190 [1] : vector<100x100xf32> to vector<100xf32>
      %broadcast_in_dim3A_192 = vector.shape_cast %reduce_sum3A_191 : vector<100xf32> to vector<100x1xf32>
      %div3A_193 = vector.broadcast %broadcast_in_dim3A_192 : vector<100x1xf32> to vector<100x100xf32>
      %div3A_194 = arith.divf %exp3A, %div3A_193 : vector<100x100xf32>
      %swap3A_195 = arith.index_cast %add3A_13 : i32 to index
      %swap3A_196 = arith.constant 0 : index
      %swap3A_197 = arith.constant 0 : index
      %swap3A_198 = vector.load %arg27[%swap3A_195, %swap3A_196, %swap3A_197] : memref<50x100x100xf32, #tpu.memory_space<vmem>>, vector<1x100x100xf32>
      %swap3A_199 = vector.shape_cast %swap3A_198 : vector<1x100x100xf32> to vector<100x100xf32>
      %swap3A_200 = vector.shape_cast %div3A_194 : vector<100x100xf32> to vector<1x100x100xf32>
      tpu.vector_store %arg27[%swap3A_195, %swap3A_196, %swap3A_197], %swap3A_200 {strides = array<i32>} : memref<50x100x100xf32, #tpu.memory_space<vmem>>, vector<1x100x100xf32>,
      %reduce_max3A_201 = arith.constant dense<0xFF800000> : vector<128xf32>
      %reduce_max3A_202 = vector.multi_reduction <maximumf>, %mul3A_147, %reduce_max3A_201 [0] : vector<100x128xf32> to vector<128xf32>
      %broadcast_in_dim3A_203 = vector.shape_cast %reduce_max3A_202 : vector<128xf32> to vector<1x128xf32>
      %swap3A_204 = arith.index_cast %add3A_13 : i32 to index
      %swap3A_205 = arith.constant 0 : index
      %swap3A_206 = arith.constant 0 : index
      %swap3A_207 = vector.load %arg28[%swap3A_204, %swap3A_205, %swap3A_206] : memref<50x1x256xf32, #tpu.memory_space<vmem>>, vector<1x1x128xf32>
      %swap3A_208 = vector.shape_cast %swap3A_207 : vector<1x1x128xf32> to vector<1x128xf32>
      %swap3A_209 = vector.shape_cast %broadcast_in_dim3A_203 : vector<1x128xf32> to vector<1x1x128xf32>
      tpu.vector_store %arg28[%swap3A_204, %swap3A_205, %swap3A_206], %swap3A_209 {strides = array<i32>} : memref<50x1x256xf32, #tpu.memory_space<vmem>>, vector<1x1x128xf32>,
      %reduce_sum3A_210 = arith.constant dense<0.000000e+00> : vector<128xf32>
      %reduce_sum3A_211 = vector.multi_reduction <add>, %mul3A_147, %reduce_sum3A_210 [0] : vector<100x128xf32> to vector<128xf32>
      %broadcast_in_dim3A_212 = vector.shape_cast %reduce_sum3A_211 : vector<128xf32> to vector<1x128xf32>
      %div3A_213 = arith.constant 1.000000e+02 : f32
      %div3A_214 = vector.broadcast %div3A_213 : f32 to vector<1x128xf32>
      %div3A_215 = arith.divf %broadcast_in_dim3A_212, %div3A_214 : vector<1x128xf32>
      %swap3A_216 = arith.index_cast %add3A_13 : i32 to index
      %swap3A_217 = arith.constant 0 : index
      %swap3A_218 = arith.constant 128 : index
      %swap3A_219 = vector.load %arg28[%swap3A_216, %swap3A_217, %swap3A_218] : memref<50x1x256xf32, #tpu.memory_space<vmem>>, vector<1x1x128xf32>
      %swap3A_220 = vector.shape_cast %swap3A_219 : vector<1x1x128xf32> to vector<1x128xf32>
      %swap3A_221 = vector.shape_cast %div3A_215 : vector<1x128xf32> to vector<1x1x128xf32>
      tpu.vector_store %arg28[%swap3A_216, %swap3A_217, %swap3A_218], %swap3A_221 {strides = array<i32>} : memref<50x1x256xf32, #tpu.memory_space<vmem>>, vector<1x1x128xf32>,
      %get3A_222 = arith.constant 0 : index
      %get3A_223 = arith.constant 0 : index
      %get3A_224 = vector.load %arg30[%get3A_222, %get3A_223] : memref<1x128xf32, #tpu.memory_space<vmem>>, vector<1x128xf32>
      %reduce_sum3A_225 = arith.constant dense<0.000000e+00> : vector<128xf32>
      %reduce_sum3A_226 = vector.multi_reduction <add>, %mul3A_147, %reduce_sum3A_225 [0] : vector<100x128xf32> to vector<128xf32>
      %broadcast_in_dim3A_227 = vector.shape_cast %reduce_sum3A_226 : vector<128xf32> to vector<1x128xf32>
      %add3A_228 = arith.addf %get3A_224, %broadcast_in_dim3A_227 : vector<1x128xf32>
      %swap3A_229 = arith.constant 0 : index
      %swap3A_230 = arith.constant 0 : index
      %swap3A_231 = vector.load %arg30[%swap3A_229, %swap3A_230] : memref<1x128xf32, #tpu.memory_space<vmem>>, vector<1x128xf32>
      tpu.vector_store %arg30[%swap3A_229, %swap3A_230], %add3A_228 {strides = array<i32>} : memref<1x128xf32, #tpu.memory_space<vmem>>, vector<1x128xf32>,
      %get3A_232 = arith.constant 0 : index
      %get3A_233 = arith.constant 0 : index
      %get3A_234 = vector.load %arg31[%get3A_232, %get3A_233] : memref<1x128xf32, #tpu.memory_space<vmem>>, vector<1x128xf32>
      %mul3A_235 = arith.mulf %mul3A_147, %mul3A_147 : vector<100x128xf32>
      %reduce_sum3A_236 = arith.constant dense<0.000000e+00> : vector<128xf32>
      %reduce_sum3A_237 = vector.multi_reduction <add>, %mul3A_235, %reduce_sum3A_236 [0] : vector<100x128xf32> to vector<128xf32>
      %broadcast_in_dim3A_238 = vector.shape_cast %reduce_sum3A_237 : vector<128xf32> to vector<1x128xf32>
      %add3A_239 = arith.addf %get3A_234, %broadcast_in_dim3A_238 : vector<1x128xf32>
      %swap3A_240 = arith.constant 0 : index
      %swap3A_241 = arith.constant 0 : index
      %swap3A_242 = vector.load %arg31[%swap3A_240, %swap3A_241] : memref<1x128xf32, #tpu.memory_space<vmem>>, vector<1x128xf32>
      tpu.vector_store %arg31[%swap3A_240, %swap3A_241], %add3A_239 {strides = array<i32>} : memref<1x128xf32, #tpu.memory_space<vmem>>, vector<1x128xf32>,
      %mul3A_243 = arith.constant 2 : i32
      %mul3A_244 = arith.muli %mul3A_243, %arg1 : i32
      %add3A_245 = arith.constant 1 : i32
      %add3A_246 = arith.addi %mul3A_244, %add3A_245 : i32
      %get3A_247 = arith.constant 1 : index
      %get3A_248 = arith.constant 0 : index
      %get3A_249 = arith.constant 0 : index
      %get3A_250 = vector.load %arg2[%get3A_247, %get3A_248, %get3A_249] : memref<2x200x200xf32, #tpu.memory_space<vmem>>, vector<1x200x200xf32>
      %get3A_251 = vector.shape_cast %get3A_250 : vector<1x200x200xf32> to vector<200x200xf32>
      %get3A_252 = arith.constant 1 : index
      %get3A_253 = arith.constant 0 : index
      %get3A_254 = arith.constant 0 : index
      %get3A_255 = vector.load %arg3[%get3A_252, %get3A_253, %get3A_254] : memref<2x200x128xf32, #tpu.memory_space<vmem>>, vector<1x200x128xf32>
      %get3A_256 = vector.shape_cast %get3A_255 : vector<1x200x128xf32> to vector<200x128xf32>
      %reduce_sum3A_257 = arith.constant dense<0.000000e+00> : vector<200xf32>
      %reduce_sum3A_258 = vector.multi_reduction <add>, %get3A_251, %reduce_sum3A_257 [1] : vector<200x200xf32> to vector<200xf32>
      %broadcast_in_dim3A_259 = vector.shape_cast %reduce_sum3A_258 : vector<200xf32> to vector<200x1xf32>
      %add3A_260 = arith.constant 1.000000e+00 : f32
      %add3A_261 = vector.broadcast %add3A_260 : f32 to vector<200x1xf32>
      %add3A_262 = arith.addf %broadcast_in_dim3A_259, %add3A_261 : vector<200x1xf32>
      %rsqrt3A_263 = math.rsqrt %add3A_262 : vector<200x1xf32>
      %mul3A_264 = vector.broadcast %rsqrt3A_263 : vector<200x1xf32> to vector<200x128xf32>
      %mul3A_265 = arith.mulf %get3A_256, %mul3A_264 : vector<200x128xf32>
      %convert_element_type3A_266 = arith.truncf %mul3A_265 : vector<200x128xf32> to vector<200x128xbf16>
      %convert_element_type3A_267 = arith.extf %convert_element_type3A_266 : vector<200x128xbf16> to vector<200x128xf32>
      %sub3A_268 = arith.subf %mul3A_265, %convert_element_type3A_267 : vector<200x128xf32>
      %convert_element_type3A_269 = arith.truncf %sub3A_268 : vector<200x128xf32> to vector<200x128xbf16>
      %convert_element_type3A_270 = arith.extf %convert_element_type3A_269 : vector<200x128xbf16> to vector<200x128xf32>
      %sub3A_271 = arith.subf %sub3A_268, %convert_element_type3A_270 : vector<200x128xf32>
      %convert_element_type3A_272 = arith.truncf %sub3A_271 : vector<200x128xf32> to vector<200x128xbf16>
      %convert_element_type3A_273 = arith.truncf %get3A_251 : vector<200x200xf32> to vector<200x200xbf16>
      %dot_general3A_274 = arith.constant dense<0.000000e+00> : vector<200x128xf32>
      %dot_general3A_275 = tpu.matmul %convert_element_type3A_273, %convert_element_type3A_266, %dot_general3A_274 {dimension_numbers = #tpu.dot_dimension_numbers<[1], [0], [0], [1], [0, 0, 1, 1], [], []>, transpose_lhs_hint = false} : vector<200x200xbf16>, vector<200x128xbf16>, vector<200x128xf32> -> vector<200x128xf32>
      %dot_general3A_276 = arith.constant dense<0.000000e+00> : vector<200x128xf32>
      %dot_general3A_277 = tpu.matmul %convert_element_type3A_273, %convert_element_type3A_269, %dot_general3A_276 {dimension_numbers = #tpu.dot_dimension_numbers<[1], [0], [0], [1], [0, 0, 1, 1], [], []>, transpose_lhs_hint = false} : vector<200x200xbf16>, vector<200x128xbf16>, vector<200x128xf32> -> vector<200x128xf32>
      %add3A_278 = arith.addf %dot_general3A_275, %dot_general3A_277 : vector<200x128xf32>
      %dot_general3A_279 = arith.constant dense<0.000000e+00> : vector<200x128xf32>
      %dot_general3A_280 = tpu.matmul %convert_element_type3A_273, %convert_element_type3A_272, %dot_general3A_279 {dimension_numbers = #tpu.dot_dimension_numbers<[1], [0], [0], [1], [0, 0, 1, 1], [], []>, transpose_lhs_hint = false} : vector<200x200xbf16>, vector<200x128xbf16>, vector<200x128xf32> -> vector<200x128xf32>
      %add3A_281 = arith.addf %add3A_278, %dot_general3A_280 : vector<200x128xf32>
      %mul3A_282 = vector.broadcast %rsqrt3A_263 : vector<200x1xf32> to vector<200x128xf32>
      %mul3A_283 = arith.mulf %mul3A_282, %add3A_281 : vector<200x128xf32>
      %mul3A_284 = arith.mulf %rsqrt3A_263, %rsqrt3A_263 : vector<200x1xf32>
      %mul3A_285 = vector.broadcast %mul3A_284 : vector<200x1xf32> to vector<200x128xf32>
      %mul3A_286 = arith.mulf %mul3A_285, %get3A_256 : vector<200x128xf32>
      %add3A_287 = arith.addf %mul3A_283, %mul3A_286 : vector<200x128xf32>
      %get3A_288 = arith.constant 0 : index
      %get3A_289 = arith.constant 0 : index
      %get3A_290 = vector.load %arg4[%get3A_288, %get3A_289] : memref<128x128xf32, #tpu.memory_space<vmem>>, vector<128x128xf32>
      %convert_element_type3A_291 = arith.truncf %add3A_287 : vector<200x128xf32> to vector<200x128xbf16>
      %convert_element_type3A_292 = arith.truncf %get3A_290 : vector<128x128xf32> to vector<128x128xbf16>
      %dot_general3A_293 = arith.constant dense<0.000000e+00> : vector<200x128xf32>
      %dot_general3A_294 = tpu.matmul %convert_element_type3A_291, %convert_element_type3A_292, %dot_general3A_293 {dimension_numbers = #tpu.dot_dimension_numbers<[1], [0], [0], [1], [0, 0, 1, 1], [], []>, transpose_lhs_hint = false} : vector<200x128xbf16>, vector<128x128xbf16>, vector<200x128xf32> -> vector<200x128xf32>
      %get3A_295 = arith.constant 0 : index
      %get3A_296 = arith.constant 0 : index
      %get3A_297 = vector.load %arg5[%get3A_295, %get3A_296] : memref<1x128xf32, #tpu.memory_space<vmem>>, vector<1x128xf32>
      %add3A_298 = vector.broadcast %get3A_297 : vector<1x128xf32> to vector<200x128xf32>
      %add3A_299 = arith.addf %dot_general3A_294, %add3A_298 : vector<200x128xf32>
      %max3A_300 = arith.constant 0.000000e+00 : f32
      %max3A_301 = vector.broadcast %max3A_300 : f32 to vector<200x128xf32>
      %max3A_302 = arith.maximumf %add3A_299, %max3A_301 : vector<200x128xf32>
      %swap3A_303 = arith.index_cast %add3A_246 : i32 to index
      %swap3A_304 = arith.constant 0 : index
      %swap3A_305 = arith.constant 0 : index
      %swap3A_306 = vector.load %arg25[%swap3A_303, %swap3A_304, %swap3A_305] : memref<50x200x128xf32, #tpu.memory_space<vmem>>, vector<1x200x128xf32>
      %swap3A_307 = vector.shape_cast %swap3A_306 : vector<1x200x128xf32> to vector<200x128xf32>
      %swap3A_308 = vector.shape_cast %max3A_302 : vector<200x128xf32> to vector<1x200x128xf32>
      tpu.vector_store %arg25[%swap3A_303, %swap3A_304, %swap3A_305], %swap3A_308 {strides = array<i32>} : memref<50x200x128xf32, #tpu.memory_space<vmem>>, vector<1x200x128xf32>,
      %max3A_309 = arith.constant 1.000000e+00 : f32
      %max3A_310 = vector.broadcast %max3A_309 : f32 to vector<200x1xf32>
      %max3A_311 = arith.maximumf %broadcast_in_dim3A_259, %max3A_310 : vector<200x1xf32>
      %convert_element_type3A_312 = arith.truncf %max3A_302 : vector<200x128xf32> to vector<200x128xbf16>
      %convert_element_type3A_313 = arith.extf %convert_element_type3A_312 : vector<200x128xbf16> to vector<200x128xf32>
      %sub3A_314 = arith.subf %max3A_302, %convert_element_type3A_313 : vector<200x128xf32>
      %convert_element_type3A_315 = arith.truncf %sub3A_314 : vector<200x128xf32> to vector<200x128xbf16>
      %convert_element_type3A_316 = arith.extf %convert_element_type3A_315 : vector<200x128xbf16> to vector<200x128xf32>
      %sub3A_317 = arith.subf %sub3A_314, %convert_element_type3A_316 : vector<200x128xf32>
      %convert_element_type3A_318 = arith.truncf %sub3A_317 : vector<200x128xf32> to vector<200x128xbf16>
      %convert_element_type3A_319 = arith.truncf %get3A_251 : vector<200x200xf32> to vector<200x200xbf16>
      %dot_general3A_320 = arith.constant dense<0.000000e+00> : vector<200x128xf32>
      %dot_general3A_321 = tpu.matmul %convert_element_type3A_319, %convert_element_type3A_312, %dot_general3A_320 {dimension_numbers = #tpu.dot_dimension_numbers<[1], [0], [0], [1], [0, 0, 1, 1], [], []>, transpose_lhs_hint = false} : vector<200x200xbf16>, vector<200x128xbf16>, vector<200x128xf32> -> vector<200x128xf32>
      %dot_general3A_322 = arith.constant dense<0.000000e+00> : vector<200x128xf32>
      %dot_general3A_323 = tpu.matmul %convert_element_type3A_319, %convert_element_type3A_315, %dot_general3A_322 {dimension_numbers = #tpu.dot_dimension_numbers<[1], [0], [0], [1], [0, 0, 1, 1], [], []>, transpose_lhs_hint = false} : vector<200x200xbf16>, vector<200x128xbf16>, vector<200x128xf32> -> vector<200x128xf32>
      %add3A_324 = arith.addf %dot_general3A_321, %dot_general3A_323 : vector<200x128xf32>
      %dot_general3A_325 = arith.constant dense<0.000000e+00> : vector<200x128xf32>
      %dot_general3A_326 = tpu.matmul %convert_element_type3A_319, %convert_element_type3A_318, %dot_general3A_325 {dimension_numbers = #tpu.dot_dimension_numbers<[1], [0], [0], [1], [0, 0, 1, 1], [], []>, transpose_lhs_hint = false} : vector<200x200xbf16>, vector<200x128xbf16>, vector<200x128xf32> -> vector<200x128xf32>
      %add3A_327 = arith.addf %add3A_324, %dot_general3A_326 : vector<200x128xf32>
      %div3A_328 = vector.broadcast %max3A_311 : vector<200x1xf32> to vector<200x128xf32>
      %div3A_329 = arith.divf %add3A_327, %div3A_328 : vector<200x128xf32>
      %sub3A_330 = arith.subf %max3A_302, %div3A_329 : vector<200x128xf32>
      %abs3A_331 = math.absf %sub3A_330 : vector<200x128xf32>
      %reduce_sum3A_332 = arith.constant dense<0.000000e+00> : vector<200xf32>
      %reduce_sum3A_333 = vector.multi_reduction <add>, %abs3A_331, %reduce_sum3A_332 [1] : vector<200x128xf32> to vector<200xf32>
      %broadcast_in_dim3A_334 = vector.shape_cast %reduce_sum3A_333 : vector<200xf32> to vector<200x1xf32>
      %iota3A_335 = tpu.iota {dimensions = array<i32: 0>} : vector<200x200xi32>
      %iota3A_336 = tpu.iota {dimensions = array<i32: 1>} : vector<200x200xi32>
      %eq3A_337 = arith.cmpi eq, %iota3A_335, %iota3A_336 : vector<200x200xi32>
      %convert_element_type3A_338 = arith.extui %eq3A_337 : vector<200x200xi1> to vector<200x200xi32>
      %convert_element_type3A_339 = arith.sitofp %convert_element_type3A_338 : vector<200x200xi32> to vector<200x200xf32>
      %mul3A_340 = vector.broadcast %broadcast_in_dim3A_334 : vector<200x1xf32> to vector<200x200xf32>
      %mul3A_341 = arith.mulf %convert_element_type3A_339, %mul3A_340 : vector<200x200xf32>
      %reduce_sum3A_342 = arith.constant dense<0.000000e+00> : vector<200xf32>
      %reduce_sum3A_343 = vector.multi_reduction <add>, %mul3A_341, %reduce_sum3A_342 [0] : vector<200x200xf32> to vector<200xf32>
      %broadcast_in_dim3A_344 = vector.shape_cast %reduce_sum3A_343 : vector<200xf32> to vector<1x200xf32>
      %gt3A_345 = vector.broadcast %broadcast_in_dim3A_344 : vector<1x200xf32> to vector<200x200xf32>
      %gt3A_346 = vector.broadcast %broadcast_in_dim3A_334 : vector<200x1xf32> to vector<200x200xf32>
      %gt3A_347 = arith.cmpf ogt, %gt3A_345, %gt3A_346 : vector<200x200xf32>
      %convert_element_type3A_348 = arith.extui %gt3A_347 : vector<200x200xi1> to vector<200x200xi32>
      %convert_element_type3A_349 = arith.sitofp %convert_element_type3A_348 : vector<200x200xi32> to vector<200x200xf32>
      %iota3A_350 = tpu.iota {dimensions = array<i32: 1>} : vector<200x200xi32>
      %iota3A_351 = tpu.iota {dimensions = array<i32: 0>} : vector<200x200xi32>
      %lt3A_352 = arith.cmpi slt, %iota3A_350, %iota3A_351 : vector<200x200xi32>
      %eq3A_353 = vector.broadcast %broadcast_in_dim3A_344 : vector<1x200xf32> to vector<200x200xf32>
      %eq3A_354 = vector.broadcast %broadcast_in_dim3A_334 : vector<200x1xf32> to vector<200x200xf32>
      %eq3A_355 = arith.cmpf oeq, %eq3A_353, %eq3A_354 : vector<200x200xf32>
      %and3A_356 = arith.andi %eq3A_355, %lt3A_352 : vector<200x200xi1>
      %convert_element_type3A_357 = arith.extui %and3A_356 : vector<200x200xi1> to vector<200x200xi32>
      %convert_element_type3A_358 = arith.sitofp %convert_element_type3A_357 : vector<200x200xi32> to vector<200x200xf32>
      %add3A_359 = arith.addf %convert_element_type3A_349, %convert_element_type3A_358 : vector<200x200xf32>
      %reduce_sum3A_360 = arith.constant dense<0.000000e+00> : vector<200xf32>
      %reduce_sum3A_361 = vector.multi_reduction <add>, %add3A_359, %reduce_sum3A_360 [1] : vector<200x200xf32> to vector<200xf32>
      %broadcast_in_dim3A_362 = vector.shape_cast %reduce_sum3A_361 : vector<200xf32> to vector<200x1xf32>
      %iota3A_363 = tpu.iota {dimensions = array<i32: 0>} : vector<200x200xi32>
      %iota3A_364 = tpu.iota {dimensions = array<i32: 1>} : vector<200x200xi32>
      %eq3A_365 = arith.cmpi eq, %iota3A_363, %iota3A_364 : vector<200x200xi32>
      %convert_element_type3A_366 = arith.extui %eq3A_365 : vector<200x200xi1> to vector<200x200xi32>
      %convert_element_type3A_367 = arith.sitofp %convert_element_type3A_366 : vector<200x200xi32> to vector<200x200xf32>
      %mul3A_368 = vector.broadcast %broadcast_in_dim3A_362 : vector<200x1xf32> to vector<200x200xf32>
      %mul3A_369 = arith.mulf %convert_element_type3A_367, %mul3A_368 : vector<200x200xf32>
      %reduce_sum3A_370 = arith.constant dense<0.000000e+00> : vector<200xf32>
      %reduce_sum3A_371 = vector.multi_reduction <add>, %mul3A_369, %reduce_sum3A_370 [0] : vector<200x200xf32> to vector<200xf32>
      %broadcast_in_dim3A_372 = vector.shape_cast %reduce_sum3A_371 : vector<200xf32> to vector<1x200xf32>
      %iota3A_373 = tpu.iota {dimensions = array<i32: 0>} : vector<100x200xi32>
      %convert_element_type3A_374 = arith.sitofp %iota3A_373 : vector<100x200xi32> to vector<100x200xf32>
      %eq3A_375 = vector.broadcast %broadcast_in_dim3A_372 : vector<1x200xf32> to vector<100x200xf32>
      %eq3A_376 = arith.cmpf oeq, %convert_element_type3A_374, %eq3A_375 : vector<100x200xf32>
      %convert_element_type3A_377 = arith.extui %eq3A_376 : vector<100x200xi1> to vector<100x200xi32>
      %convert_element_type3A_378 = arith.sitofp %convert_element_type3A_377 : vector<100x200xi32> to vector<100x200xf32>
      %mul3A_379 = vector.broadcast %broadcast_in_dim3A_344 : vector<1x200xf32> to vector<100x200xf32>
      %mul3A_380 = arith.mulf %convert_element_type3A_378, %mul3A_379 : vector<100x200xf32>
      %reduce_sum3A_381 = arith.constant dense<0.000000e+00> : vector<100xf32>
      %reduce_sum3A_382 = vector.multi_reduction <add>, %mul3A_380, %reduce_sum3A_381 [1] : vector<100x200xf32> to vector<100xf32>
      %broadcast_in_dim3A_383 = vector.shape_cast %reduce_sum3A_382 : vector<100xf32> to vector<100x1xf32>
      %convert_element_type3A_384 = arith.truncf %convert_element_type3A_378 : vector<100x200xf32> to vector<100x200xbf16>
      %dot_general3A_385 = arith.constant dense<0.000000e+00> : vector<100x128xf32>
      %dot_general3A_386 = tpu.matmul %convert_element_type3A_384, %convert_element_type3A_312, %dot_general3A_385 {dimension_numbers = #tpu.dot_dimension_numbers<[1], [0], [0], [1], [0, 0, 1, 1], [], []>, transpose_lhs_hint = false} : vector<100x200xbf16>, vector<200x128xbf16>, vector<100x128xf32> -> vector<100x128xf32>
      %dot_general3A_387 = arith.constant dense<0.000000e+00> : vector<100x128xf32>
      %dot_general3A_388 = tpu.matmul %convert_element_type3A_384, %convert_element_type3A_315, %dot_general3A_387 {dimension_numbers = #tpu.dot_dimension_numbers<[1], [0], [0], [1], [0, 0, 1, 1], [], []>, transpose_lhs_hint = false} : vector<100x200xbf16>, vector<200x128xbf16>, vector<100x128xf32> -> vector<100x128xf32>
      %add3A_389 = arith.addf %dot_general3A_386, %dot_general3A_388 : vector<100x128xf32>
      %dot_general3A_390 = arith.constant dense<0.000000e+00> : vector<100x128xf32>
      %dot_general3A_391 = tpu.matmul %convert_element_type3A_384, %convert_element_type3A_318, %dot_general3A_390 {dimension_numbers = #tpu.dot_dimension_numbers<[1], [0], [0], [1], [0, 0, 1, 1], [], []>, transpose_lhs_hint = false} : vector<100x200xbf16>, vector<200x128xbf16>, vector<100x128xf32> -> vector<100x128xf32>
      %add3A_392 = arith.addf %add3A_389, %dot_general3A_391 : vector<100x128xf32>
      %tanh3A_393 = math.tanh %broadcast_in_dim3A_383 : vector<100x1xf32>
      %mul3A_394 = vector.broadcast %tanh3A_393 : vector<100x1xf32> to vector<100x128xf32>
      %mul3A_395 = arith.mulf %add3A_392, %mul3A_394 : vector<100x128xf32>
      %swap3A_396 = arith.index_cast %add3A_246 : i32 to index
      %swap3A_397 = arith.constant 0 : index
      %swap3A_398 = arith.constant 0 : index
      %swap3A_399 = vector.load %arg26[%swap3A_396, %swap3A_397, %swap3A_398] : memref<50x100x128xf32, #tpu.memory_space<vmem>>, vector<1x100x128xf32>
      %swap3A_400 = vector.shape_cast %swap3A_399 : vector<1x100x128xf32> to vector<100x128xf32>
      %swap3A_401 = vector.shape_cast %mul3A_395 : vector<100x128xf32> to vector<1x100x128xf32>
      tpu.vector_store %arg26[%swap3A_396, %swap3A_397, %swap3A_398], %swap3A_401 {strides = array<i32>} : memref<50x100x128xf32, #tpu.memory_space<vmem>>, vector<1x100x128xf32>,
      %convert_element_type3A_402 = arith.truncf %convert_element_type3A_378 : vector<100x200xf32> to vector<100x200xbf16>
      %convert_element_type3A_403 = arith.truncf %get3A_251 : vector<200x200xf32> to vector<200x200xbf16>
      %dot_general3A_404 = arith.constant dense<0.000000e+00> : vector<100x200xf32>
      %dot_general3A_405 = tpu.matmul %convert_element_type3A_402, %convert_element_type3A_403, %dot_general3A_404 {dimension_numbers = #tpu.dot_dimension_numbers<[1], [1], [0], [0], [0, 0, 1, 0], [], []>, transpose_lhs_hint = false} : vector<100x200xbf16>, vector<200x200xbf16>, vector<100x200xf32> -> vector<100x200xf32>
      %convert_element_type3A_406 = arith.truncf %dot_general3A_405 : vector<100x200xf32> to vector<100x200xbf16>
      %convert_element_type3A_407 = arith.truncf %convert_element_type3A_378 : vector<100x200xf32> to vector<100x200xbf16>
      %dot_general3A_408 = arith.constant dense<0.000000e+00> : vector<100x100xf32>
      %dot_general3A_409 = tpu.matmul %convert_element_type3A_406, %convert_element_type3A_407, %dot_general3A_408 {dimension_numbers = #tpu.dot_dimension_numbers<[1], [1], [0], [0], [0, 0, 1, 0], [], []>, transpose_lhs_hint = false} : vector<100x200xbf16>, vector<100x200xbf16>, vector<100x100xf32> -> vector<100x100xf32>
      %get3A_410 = arith.constant 0 : index
      %get3A_411 = arith.constant 0 : index
      %get3A_412 = vector.load %arg6[%get3A_410, %get3A_411] : memref<128x1xf32, #tpu.memory_space<vmem>>, vector<128x1xf32>
      %convert_element_type3A_413 = arith.truncf %mul3A_395 : vector<100x128xf32> to vector<100x128xbf16>
      %convert_element_type3A_414 = arith.truncf %get3A_412 : vector<128x1xf32> to vector<128x1xbf16>
      %dot_general3A_415 = arith.constant dense<0.000000e+00> : vector<100x1xf32>
      %dot_general3A_416 = tpu.matmul %convert_element_type3A_413, %convert_element_type3A_414, %dot_general3A_415 {dimension_numbers = #tpu.dot_dimension_numbers<[1], [0], [0], [1], [0, 0, 1, 1], [], []>, transpose_lhs_hint = false} : vector<100x128xbf16>, vector<128x1xbf16>, vector<100x1xf32> -> vector<100x1xf32>
      %get3A_417 = arith.constant 0 : index
      %get3A_418 = arith.constant 0 : index
      %get3A_419 = vector.load %arg7[%get3A_417, %get3A_418] : memref<1x128xf32, #tpu.memory_space<vmem>>, vector<1x128xf32>
      %convert_element_type3A_420 = arith.truncf %get3A_419 : vector<1x128xf32> to vector<1x128xbf16>
      %convert_element_type3A_421 = arith.truncf %mul3A_395 : vector<100x128xf32> to vector<100x128xbf16>
      %dot_general3A_422 = arith.constant dense<0.000000e+00> : vector<1x100xf32>
      %dot_general3A_423 = tpu.matmul %convert_element_type3A_420, %convert_element_type3A_421, %dot_general3A_422 {dimension_numbers = #tpu.dot_dimension_numbers<[1], [1], [0], [0], [0, 0, 1, 0], [], []>, transpose_lhs_hint = false} : vector<1x128xbf16>, vector<100x128xbf16>, vector<1x100xf32> -> vector<1x100xf32>
      %add3A_424 = vector.broadcast %dot_general3A_416 : vector<100x1xf32> to vector<100x100xf32>
      %add3A_425 = vector.broadcast %dot_general3A_423 : vector<1x100xf32> to vector<100x100xf32>
      %add3A_426 = arith.addf %add3A_424, %add3A_425 : vector<100x100xf32>
      %max3A_427 = arith.constant 0.000000e+00 : f32
      %max3A_428 = vector.broadcast %max3A_427 : f32 to vector<100x100xf32>
      %max3A_429 = arith.maximumf %add3A_426, %max3A_428 : vector<100x100xf32>
      %mul3A_430 = arith.constant 1.000000e+00 : f32
      %mul3A_431 = vector.broadcast %mul3A_430 : f32 to vector<100x100xf32>
      %mul3A_432 = arith.mulf %mul3A_431, %dot_general3A_409 : vector<100x100xf32>
      %add3A_433 = arith.addf %max3A_429, %mul3A_432 : vector<100x100xf32>
      %reduce_max3A_434 = arith.constant dense<0xFF800000> : vector<100xf32>
      %reduce_max3A_435 = vector.multi_reduction <maximumf>, %add3A_433, %reduce_max3A_434 [1] : vector<100x100xf32> to vector<100xf32>
      %broadcast_in_dim3A_436 = vector.shape_cast %reduce_max3A_435 : vector<100xf32> to vector<100x1xf32>
      %sub3A_437 = vector.broadcast %broadcast_in_dim3A_436 : vector<100x1xf32> to vector<100x100xf32>
      %sub3A_438 = arith.subf %add3A_433, %sub3A_437 : vector<100x100xf32>
      %exp3A_439 = math.exp %sub3A_438 : vector<100x100xf32>
      %reduce_sum3A_440 = arith.constant dense<0.000000e+00> : vector<100xf32>
      %reduce_sum3A_441 = vector.multi_reduction <add>, %exp3A_439, %reduce_sum3A_440 [1] : vector<100x100xf32> to vector<100xf32>
      %broadcast_in_dim3A_442 = vector.shape_cast %reduce_sum3A_441 : vector<100xf32> to vector<100x1xf32>
      %div3A_443 = vector.broadcast %broadcast_in_dim3A_442 : vector<100x1xf32> to vector<100x100xf32>
      %div3A_444 = arith.divf %exp3A_439, %div3A_443 : vector<100x100xf32>
      %swap3A_445 = arith.index_cast %add3A_246 : i32 to index
      %swap3A_446 = arith.constant 0 : index
      %swap3A_447 = arith.constant 0 : index
      %swap3A_448 = vector.load %arg27[%swap3A_445, %swap3A_446, %swap3A_447] : memref<50x100x100xf32, #tpu.memory_space<vmem>>, vector<1x100x100xf32>
      %swap3A_449 = vector.shape_cast %swap3A_448 : vector<1x100x100xf32> to vector<100x100xf32>
      %swap3A_450 = vector.shape_cast %div3A_444 : vector<100x100xf32> to vector<1x100x100xf32>
      tpu.vector_store %arg27[%swap3A_445, %swap3A_446, %swap3A_447], %swap3A_450 {strides = array<i32>} : memref<50x100x100xf32, #tpu.memory_space<vmem>>, vector<1x100x100xf32>,
      %reduce_max3A_451 = arith.constant dense<0xFF800000> : vector<128xf32>
      %reduce_max3A_452 = vector.multi_reduction <maximumf>, %mul3A_395, %reduce_max3A_451 [0] : vector<100x128xf32> to vector<128xf32>
      %broadcast_in_dim3A_453 = vector.shape_cast %reduce_max3A_452 : vector<128xf32> to vector<1x128xf32>
      %swap3A_454 = arith.index_cast %add3A_246 : i32 to index
      %swap3A_455 = arith.constant 0 : index
      %swap3A_456 = arith.constant 0 : index
      %swap3A_457 = vector.load %arg28[%swap3A_454, %swap3A_455, %swap3A_456] : memref<50x1x256xf32, #tpu.memory_space<vmem>>, vector<1x1x128xf32>
      %swap3A_458 = vector.shape_cast %swap3A_457 : vector<1x1x128xf32> to vector<1x128xf32>
      %swap3A_459 = vector.shape_cast %broadcast_in_dim3A_453 : vector<1x128xf32> to vector<1x1x128xf32>
      tpu.vector_store %arg28[%swap3A_454, %swap3A_455, %swap3A_456], %swap3A_459 {strides = array<i32>} : memref<50x1x256xf32, #tpu.memory_space<vmem>>, vector<1x1x128xf32>,
      %reduce_sum3A_460 = arith.constant dense<0.000000e+00> : vector<128xf32>
      %reduce_sum3A_461 = vector.multi_reduction <add>, %mul3A_395, %reduce_sum3A_460 [0] : vector<100x128xf32> to vector<128xf32>
      %broadcast_in_dim3A_462 = vector.shape_cast %reduce_sum3A_461 : vector<128xf32> to vector<1x128xf32>
      %div3A_463 = arith.constant 1.000000e+02 : f32
      %div3A_464 = vector.broadcast %div3A_463 : f32 to vector<1x128xf32>
      %div3A_465 = arith.divf %broadcast_in_dim3A_462, %div3A_464 : vector<1x128xf32>
      %swap3A_466 = arith.index_cast %add3A_246 : i32 to index
      %swap3A_467 = arith.constant 0 : index
      %swap3A_468 = arith.constant 128 : index
      %swap3A_469 = vector.load %arg28[%swap3A_466, %swap3A_467, %swap3A_468] : memref<50x1x256xf32, #tpu.memory_space<vmem>>, vector<1x1x128xf32>
      %swap3A_470 = vector.shape_cast %swap3A_469 : vector<1x1x128xf32> to vector<1x128xf32>
      %swap3A_471 = vector.shape_cast %div3A_465 : vector<1x128xf32> to vector<1x1x128xf32>
      tpu.vector_store %arg28[%swap3A_466, %swap3A_467, %swap3A_468], %swap3A_471 {strides = array<i32>} : memref<50x1x256xf32, #tpu.memory_space<vmem>>, vector<1x1x128xf32>,
      %get3A_472 = arith.constant 0 : index
      %get3A_473 = arith.constant 0 : index
      %get3A_474 = vector.load %arg30[%get3A_472, %get3A_473] : memref<1x128xf32, #tpu.memory_space<vmem>>, vector<1x128xf32>
      %reduce_sum3A_475 = arith.constant dense<0.000000e+00> : vector<128xf32>
      %reduce_sum3A_476 = vector.multi_reduction <add>, %mul3A_395, %reduce_sum3A_475 [0] : vector<100x128xf32> to vector<128xf32>
      %broadcast_in_dim3A_477 = vector.shape_cast %reduce_sum3A_476 : vector<128xf32> to vector<1x128xf32>
      %add3A_478 = arith.addf %get3A_474, %broadcast_in_dim3A_477 : vector<1x128xf32>
      %swap3A_479 = arith.constant 0 : index
      %swap3A_480 = arith.constant 0 : index
      %swap3A_481 = vector.load %arg30[%swap3A_479, %swap3A_480] : memref<1x128xf32, #tpu.memory_space<vmem>>, vector<1x128xf32>
      tpu.vector_store %arg30[%swap3A_479, %swap3A_480], %add3A_478 {strides = array<i32>} : memref<1x128xf32, #tpu.memory_space<vmem>>, vector<1x128xf32>,
      %get3A_482 = arith.constant 0 : index
      %get3A_483 = arith.constant 0 : index
      %get3A_484 = vector.load %arg31[%get3A_482, %get3A_483] : memref<1x128xf32, #tpu.memory_space<vmem>>, vector<1x128xf32>
      %mul3A_485 = arith.mulf %mul3A_395, %mul3A_395 : vector<100x128xf32>
      %reduce_sum3A_486 = arith.constant dense<0.000000e+00> : vector<128xf32>
      %reduce_sum3A_487 = vector.multi_reduction <add>, %mul3A_485, %reduce_sum3A_486 [0] : vector<100x128xf32> to vector<128xf32>
      %broadcast_in_dim3A_488 = vector.shape_cast %reduce_sum3A_487 : vector<128xf32> to vector<1x128xf32>
      %add3A_489 = arith.addf %get3A_484, %broadcast_in_dim3A_488 : vector<1x128xf32>
      %swap3A_490 = arith.constant 0 : index
      %swap3A_491 = arith.constant 0 : index
      %swap3A_492 = vector.load %arg31[%swap3A_490, %swap3A_491] : memref<1x128xf32, #tpu.memory_space<vmem>>, vector<1x128xf32>
      tpu.vector_store %arg31[%swap3A_490, %swap3A_491], %add3A_489 {strides = array<i32>} : memref<1x128xf32, #tpu.memory_space<vmem>>, vector<1x128xf32>,
    } else {
    }
    %eq3A_2 = arith.constant 1 : i32
    %eq3A_3 = arith.cmpi eq, %arg0, %eq3A_2 : i32
    %convert_element_type3A_4 = arith.extui %eq3A_3 : i1 to i32
    %cond3A_5 = arith.constant 0 : i32
    %cond3A_6 = arith.cmpi ne, %convert_element_type3A_4, %cond3A_5 : i32
    scf.if %cond3A_6 {
      %get3A = arith.constant 0 : index
      %get3A_7 = arith.constant 0 : index
      %get3A_8 = vector.load %arg30[%get3A, %get3A_7] : memref<1x128xf32, #tpu.memory_space<vmem>>, vector<1x128xf32>
      %mul3A = arith.constant 2.000000e-04 : f32
      %mul3A_9 = vector.broadcast %mul3A : f32 to vector<1x128xf32>
      %mul3A_10 = arith.mulf %get3A_8, %mul3A_9 : vector<1x128xf32>
      %get3A_11 = arith.constant 0 : index
      %get3A_12 = arith.constant 0 : index
      %get3A_13 = vector.load %arg31[%get3A_11, %get3A_12] : memref<1x128xf32, #tpu.memory_space<vmem>>, vector<1x128xf32>
      %mul3A_14 = arith.constant 2.000000e-04 : f32
      %mul3A_15 = vector.broadcast %mul3A_14 : f32 to vector<1x128xf32>
      %mul3A_16 = arith.mulf %get3A_13, %mul3A_15 : vector<1x128xf32>
      %mul3A_17 = arith.mulf %mul3A_10, %mul3A_10 : vector<1x128xf32>
      %sub3A = arith.subf %mul3A_16, %mul3A_17 : vector<1x128xf32>
      %add3A = arith.constant 9.99999974E-6 : f32
      %add3A_18 = vector.broadcast %add3A : f32 to vector<1x128xf32>
      %add3A_19 = arith.addf %sub3A, %add3A_18 : vector<1x128xf32>
      %rsqrt3A = math.rsqrt %add3A_19 : vector<1x128xf32>
      %mul3A_20 = arith.constant 2 : i32
      %mul3A_21 = arith.muli %mul3A_20, %arg1 : i32
      %add3A_22 = arith.constant 0 : i32
      %add3A_23 = arith.addi %mul3A_21, %add3A_22 : i32
      %get3A_24 = arith.index_cast %add3A_23 : i32 to index
      %get3A_25 = arith.constant 0 : index
      %get3A_26 = arith.constant 0 : index
      %get3A_27 = vector.load %arg25[%get3A_24, %get3A_25, %get3A_26] : memref<50x200x128xf32, #tpu.memory_space<vmem>>, vector<1x200x128xf32>
      %get3A_28 = vector.shape_cast %get3A_27 : vector<1x200x128xf32> to vector<200x128xf32>
      %swap3A = arith.constant 0 : index
      %swap3A_29 = arith.constant 0 : index
      %swap3A_30 = arith.constant 0 : index
      %swap3A_31 = vector.load %arg22[%swap3A, %swap3A_29, %swap3A_30] : memref<2x200x128xf32, #tpu.memory_space<vmem>>, vector<1x200x128xf32>
      %swap3A_32 = vector.shape_cast %swap3A_31 : vector<1x200x128xf32> to vector<200x128xf32>
      %swap3A_33 = vector.shape_cast %get3A_28 : vector<200x128xf32> to vector<1x200x128xf32>
      tpu.vector_store %arg22[%swap3A, %swap3A_29, %swap3A_30], %swap3A_33 {strides = array<i32>} : memref<2x200x128xf32, #tpu.memory_space<vmem>>, vector<1x200x128xf32>,
      %get3A_34 = arith.index_cast %add3A_23 : i32 to index
      %get3A_35 = arith.constant 0 : index
      %get3A_36 = arith.constant 0 : index
      %get3A_37 = vector.load %arg26[%get3A_34, %get3A_35, %get3A_36] : memref<50x100x128xf32, #tpu.memory_space<vmem>>, vector<1x100x128xf32>
      %get3A_38 = vector.shape_cast %get3A_37 : vector<1x100x128xf32> to vector<100x128xf32>
      %get3A_39 = arith.index_cast %add3A_23 : i32 to index
      %get3A_40 = arith.constant 0 : index
      %get3A_41 = arith.constant 0 : index
      %get3A_42 = vector.load %arg27[%get3A_39, %get3A_40, %get3A_41] : memref<50x100x100xf32, #tpu.memory_space<vmem>>, vector<1x100x100xf32>
      %get3A_43 = vector.shape_cast %get3A_42 : vector<1x100x100xf32> to vector<100x100xf32>
      %sub3A_44 = vector.broadcast %mul3A_10 : vector<1x128xf32> to vector<100x128xf32>
      %sub3A_45 = arith.subf %get3A_38, %sub3A_44 : vector<100x128xf32>
      %mul3A_46 = vector.broadcast %rsqrt3A : vector<1x128xf32> to vector<100x128xf32>
      %mul3A_47 = arith.mulf %sub3A_45, %mul3A_46 : vector<100x128xf32>
      %get3A_48 = arith.constant 0 : index
      %get3A_49 = arith.constant 0 : index
      %get3A_50 = vector.load %arg8[%get3A_48, %get3A_49] : memref<1x128xf32, #tpu.memory_space<vmem>>, vector<1x128xf32>
      %mul3A_51 = vector.broadcast %get3A_50 : vector<1x128xf32> to vector<100x128xf32>
      %mul3A_52 = arith.mulf %mul3A_47, %mul3A_51 : vector<100x128xf32>
      %get3A_53 = arith.constant 0 : index
      %get3A_54 = arith.constant 0 : index
      %get3A_55 = vector.load %arg9[%get3A_53, %get3A_54] : memref<1x128xf32, #tpu.memory_space<vmem>>, vector<1x128xf32>
      %add3A_56 = vector.broadcast %get3A_55 : vector<1x128xf32> to vector<100x128xf32>
      %add3A_57 = arith.addf %mul3A_52, %add3A_56 : vector<100x128xf32>
      %convert_element_type3A_58 = arith.truncf %get3A_43 : vector<100x100xf32> to vector<100x100xbf16>
      %convert_element_type3A_59 = arith.truncf %add3A_57 : vector<100x128xf32> to vector<100x128xbf16>
      %dot_general3A = arith.constant dense<0.000000e+00> : vector<100x128xf32>
      %dot_general3A_60 = tpu.matmul %convert_element_type3A_58, %convert_element_type3A_59, %dot_general3A {dimension_numbers = #tpu.dot_dimension_numbers<[1], [0], [0], [1], [0, 0, 1, 1], [], []>, transpose_lhs_hint = false} : vector<100x100xbf16>, vector<100x128xbf16>, vector<100x128xf32> -> vector<100x128xf32>
      %get3A_61 = arith.constant 0 : index
      %get3A_62 = arith.constant 0 : index
      %get3A_63 = vector.load %arg10[%get3A_61, %get3A_62] : memref<128x128xf32, #tpu.memory_space<vmem>>, vector<128x128xf32>
      %convert_element_type3A_64 = arith.truncf %dot_general3A_60 : vector<100x128xf32> to vector<100x128xbf16>
      %convert_element_type3A_65 = arith.truncf %get3A_63 : vector<128x128xf32> to vector<128x128xbf16>
      %dot_general3A_66 = arith.constant dense<0.000000e+00> : vector<100x128xf32>
      %dot_general3A_67 = tpu.matmul %convert_element_type3A_64, %convert_element_type3A_65, %dot_general3A_66 {dimension_numbers = #tpu.dot_dimension_numbers<[1], [0], [0], [1], [0, 0, 1, 1], [], []>, transpose_lhs_hint = false} : vector<100x128xbf16>, vector<128x128xbf16>, vector<100x128xf32> -> vector<100x128xf32>
      %get3A_68 = arith.constant 0 : index
      %get3A_69 = arith.constant 0 : index
      %get3A_70 = vector.load %arg11[%get3A_68, %get3A_69] : memref<1x128xf32, #tpu.memory_space<vmem>>, vector<1x128xf32>
      %add3A_71 = vector.broadcast %get3A_70 : vector<1x128xf32> to vector<100x128xf32>
      %add3A_72 = arith.addf %dot_general3A_67, %add3A_71 : vector<100x128xf32>
      %max3A = arith.constant 0.000000e+00 : f32
      %max3A_73 = vector.broadcast %max3A : f32 to vector<100x128xf32>
      %max3A_74 = arith.maximumf %add3A_72, %max3A_73 : vector<100x128xf32>
      %convert_element_type3A_75 = arith.truncf %get3A_43 : vector<100x100xf32> to vector<100x100xbf16>
      %convert_element_type3A_76 = arith.truncf %max3A_74 : vector<100x128xf32> to vector<100x128xbf16>
      %dot_general3A_77 = arith.constant dense<0.000000e+00> : vector<100x128xf32>
      %dot_general3A_78 = tpu.matmul %convert_element_type3A_75, %convert_element_type3A_76, %dot_general3A_77 {dimension_numbers = #tpu.dot_dimension_numbers<[1], [0], [0], [1], [0, 0, 1, 1], [], []>, transpose_lhs_hint = false} : vector<100x100xbf16>, vector<100x128xbf16>, vector<100x128xf32> -> vector<100x128xf32>
      %sub3A_79 = arith.subf %max3A_74, %dot_general3A_78 : vector<100x128xf32>
      %abs3A = math.absf %sub3A_79 : vector<100x128xf32>
      %reduce_sum3A = arith.constant dense<0.000000e+00> : vector<100xf32>
      %reduce_sum3A_80 = vector.multi_reduction <add>, %abs3A, %reduce_sum3A [1] : vector<100x128xf32> to vector<100xf32>
      %broadcast_in_dim3A = vector.shape_cast %reduce_sum3A_80 : vector<100xf32> to vector<100x1xf32>
      %iota3A = tpu.iota {dimensions = array<i32: 0>} : vector<100x100xi32>
      %iota3A_81 = tpu.iota {dimensions = array<i32: 1>} : vector<100x100xi32>
      %eq3A_82 = arith.cmpi eq, %iota3A, %iota3A_81 : vector<100x100xi32>
      %convert_element_type3A_83 = arith.extui %eq3A_82 : vector<100x100xi1> to vector<100x100xi32>
      %convert_element_type3A_84 = arith.sitofp %convert_element_type3A_83 : vector<100x100xi32> to vector<100x100xf32>
      %mul3A_85 = vector.broadcast %broadcast_in_dim3A : vector<100x1xf32> to vector<100x100xf32>
      %mul3A_86 = arith.mulf %convert_element_type3A_84, %mul3A_85 : vector<100x100xf32>
      %reduce_sum3A_87 = arith.constant dense<0.000000e+00> : vector<100xf32>
      %reduce_sum3A_88 = vector.multi_reduction <add>, %mul3A_86, %reduce_sum3A_87 [0] : vector<100x100xf32> to vector<100xf32>
      %broadcast_in_dim3A_89 = vector.shape_cast %reduce_sum3A_88 : vector<100xf32> to vector<1x100xf32>
      %gt3A = vector.broadcast %broadcast_in_dim3A_89 : vector<1x100xf32> to vector<100x100xf32>
      %gt3A_90 = vector.broadcast %broadcast_in_dim3A : vector<100x1xf32> to vector<100x100xf32>
      %gt3A_91 = arith.cmpf ogt, %gt3A, %gt3A_90 : vector<100x100xf32>
      %convert_element_type3A_92 = arith.extui %gt3A_91 : vector<100x100xi1> to vector<100x100xi32>
      %convert_element_type3A_93 = arith.sitofp %convert_element_type3A_92 : vector<100x100xi32> to vector<100x100xf32>
      %iota3A_94 = tpu.iota {dimensions = array<i32: 1>} : vector<100x100xi32>
      %iota3A_95 = tpu.iota {dimensions = array<i32: 0>} : vector<100x100xi32>
      %lt3A = arith.cmpi slt, %iota3A_94, %iota3A_95 : vector<100x100xi32>
      %eq3A_96 = vector.broadcast %broadcast_in_dim3A_89 : vector<1x100xf32> to vector<100x100xf32>
      %eq3A_97 = vector.broadcast %broadcast_in_dim3A : vector<100x1xf32> to vector<100x100xf32>
      %eq3A_98 = arith.cmpf oeq, %eq3A_96, %eq3A_97 : vector<100x100xf32>
      %and3A = arith.andi %eq3A_98, %lt3A : vector<100x100xi1>
      %convert_element_type3A_99 = arith.extui %and3A : vector<100x100xi1> to vector<100x100xi32>
      %convert_element_type3A_100 = arith.sitofp %convert_element_type3A_99 : vector<100x100xi32> to vector<100x100xf32>
      %add3A_101 = arith.addf %convert_element_type3A_93, %convert_element_type3A_100 : vector<100x100xf32>
      %reduce_sum3A_102 = arith.constant dense<0.000000e+00> : vector<100xf32>
      %reduce_sum3A_103 = vector.multi_reduction <add>, %add3A_101, %reduce_sum3A_102 [1] : vector<100x100xf32> to vector<100xf32>
      %broadcast_in_dim3A_104 = vector.shape_cast %reduce_sum3A_103 : vector<100xf32> to vector<100x1xf32>
      %iota3A_105 = tpu.iota {dimensions = array<i32: 0>} : vector<100x100xi32>
      %iota3A_106 = tpu.iota {dimensions = array<i32: 1>} : vector<100x100xi32>
      %eq3A_107 = arith.cmpi eq, %iota3A_105, %iota3A_106 : vector<100x100xi32>
      %convert_element_type3A_108 = arith.extui %eq3A_107 : vector<100x100xi1> to vector<100x100xi32>
      %convert_element_type3A_109 = arith.sitofp %convert_element_type3A_108 : vector<100x100xi32> to vector<100x100xf32>
      %mul3A_110 = vector.broadcast %broadcast_in_dim3A_104 : vector<100x1xf32> to vector<100x100xf32>
      %mul3A_111 = arith.mulf %convert_element_type3A_109, %mul3A_110 : vector<100x100xf32>
      %reduce_sum3A_112 = arith.constant dense<0.000000e+00> : vector<100xf32>
      %reduce_sum3A_113 = vector.multi_reduction <add>, %mul3A_111, %reduce_sum3A_112 [0] : vector<100x100xf32> to vector<100xf32>
      %broadcast_in_dim3A_114 = vector.shape_cast %reduce_sum3A_113 : vector<100xf32> to vector<1x100xf32>
      %iota3A_115 = tpu.iota {dimensions = array<i32: 0>} : vector<50x100xi32>
      %convert_element_type3A_116 = arith.sitofp %iota3A_115 : vector<50x100xi32> to vector<50x100xf32>
      %eq3A_117 = vector.broadcast %broadcast_in_dim3A_114 : vector<1x100xf32> to vector<50x100xf32>
      %eq3A_118 = arith.cmpf oeq, %convert_element_type3A_116, %eq3A_117 : vector<50x100xf32>
      %convert_element_type3A_119 = arith.extui %eq3A_118 : vector<50x100xi1> to vector<50x100xi32>
      %convert_element_type3A_120 = arith.sitofp %convert_element_type3A_119 : vector<50x100xi32> to vector<50x100xf32>
      %mul3A_121 = vector.broadcast %broadcast_in_dim3A_89 : vector<1x100xf32> to vector<50x100xf32>
      %mul3A_122 = arith.mulf %convert_element_type3A_120, %mul3A_121 : vector<50x100xf32>
      %reduce_sum3A_123 = arith.constant dense<0.000000e+00> : vector<50xf32>
      %reduce_sum3A_124 = vector.multi_reduction <add>, %mul3A_122, %reduce_sum3A_123 [1] : vector<50x100xf32> to vector<50xf32>
      %broadcast_in_dim3A_125 = vector.shape_cast %reduce_sum3A_124 : vector<50xf32> to vector<50x1xf32>
      %convert_element_type3A_126 = arith.truncf %max3A_74 : vector<100x128xf32> to vector<100x128xbf16>
      %convert_element_type3A_127 = arith.extf %convert_element_type3A_126 : vector<100x128xbf16> to vector<100x128xf32>
      %sub3A_128 = arith.subf %max3A_74, %convert_element_type3A_127 : vector<100x128xf32>
      %convert_element_type3A_129 = arith.truncf %sub3A_128 : vector<100x128xf32> to vector<100x128xbf16>
      %convert_element_type3A_130 = arith.extf %convert_element_type3A_129 : vector<100x128xbf16> to vector<100x128xf32>
      %sub3A_131 = arith.subf %sub3A_128, %convert_element_type3A_130 : vector<100x128xf32>
      %convert_element_type3A_132 = arith.truncf %sub3A_131 : vector<100x128xf32> to vector<100x128xbf16>
      %convert_element_type3A_133 = arith.truncf %convert_element_type3A_120 : vector<50x100xf32> to vector<50x100xbf16>
      %dot_general3A_134 = arith.constant dense<0.000000e+00> : vector<50x128xf32>
      %dot_general3A_135 = tpu.matmul %convert_element_type3A_133, %convert_element_type3A_126, %dot_general3A_134 {dimension_numbers = #tpu.dot_dimension_numbers<[1], [0], [0], [1], [0, 0, 1, 1], [], []>, transpose_lhs_hint = false} : vector<50x100xbf16>, vector<100x128xbf16>, vector<50x128xf32> -> vector<50x128xf32>
      %dot_general3A_136 = arith.constant dense<0.000000e+00> : vector<50x128xf32>
      %dot_general3A_137 = tpu.matmul %convert_element_type3A_133, %convert_element_type3A_129, %dot_general3A_136 {dimension_numbers = #tpu.dot_dimension_numbers<[1], [0], [0], [1], [0, 0, 1, 1], [], []>, transpose_lhs_hint = false} : vector<50x100xbf16>, vector<100x128xbf16>, vector<50x128xf32> -> vector<50x128xf32>
      %add3A_138 = arith.addf %dot_general3A_135, %dot_general3A_137 : vector<50x128xf32>
      %dot_general3A_139 = arith.constant dense<0.000000e+00> : vector<50x128xf32>
      %dot_general3A_140 = tpu.matmul %convert_element_type3A_133, %convert_element_type3A_132, %dot_general3A_139 {dimension_numbers = #tpu.dot_dimension_numbers<[1], [0], [0], [1], [0, 0, 1, 1], [], []>, transpose_lhs_hint = false} : vector<50x100xbf16>, vector<100x128xbf16>, vector<50x128xf32> -> vector<50x128xf32>
      %add3A_141 = arith.addf %add3A_138, %dot_general3A_140 : vector<50x128xf32>
      %tanh3A = math.tanh %broadcast_in_dim3A_125 : vector<50x1xf32>
      %mul3A_142 = vector.broadcast %tanh3A : vector<50x1xf32> to vector<50x128xf32>
      %mul3A_143 = arith.mulf %add3A_141, %mul3A_142 : vector<50x128xf32>
      %convert_element_type3A_144 = arith.truncf %get3A_43 : vector<100x100xf32> to vector<100x100xbf16>
      %convert_element_type3A_145 = arith.extf %convert_element_type3A_144 : vector<100x100xbf16> to vector<100x100xf32>
      %sub3A_146 = arith.subf %get3A_43, %convert_element_type3A_145 : vector<100x100xf32>
      %convert_element_type3A_147 = arith.truncf %sub3A_146 : vector<100x100xf32> to vector<100x100xbf16>
      %convert_element_type3A_148 = arith.extf %convert_element_type3A_147 : vector<100x100xbf16> to vector<100x100xf32>
      %sub3A_149 = arith.subf %sub3A_146, %convert_element_type3A_148 : vector<100x100xf32>
      %convert_element_type3A_150 = arith.truncf %sub3A_149 : vector<100x100xf32> to vector<100x100xbf16>
      %convert_element_type3A_151 = arith.truncf %convert_element_type3A_120 : vector<50x100xf32> to vector<50x100xbf16>
      %dot_general3A_152 = arith.constant dense<0.000000e+00> : vector<50x100xf32>
      %dot_general3A_153 = tpu.matmul %convert_element_type3A_151, %convert_element_type3A_144, %dot_general3A_152 {dimension_numbers = #tpu.dot_dimension_numbers<[1], [0], [0], [1], [0, 0, 1, 1], [], []>, transpose_lhs_hint = false} : vector<50x100xbf16>, vector<100x100xbf16>, vector<50x100xf32> -> vector<50x100xf32>
      %dot_general3A_154 = arith.constant dense<0.000000e+00> : vector<50x100xf32>
      %dot_general3A_155 = tpu.matmul %convert_element_type3A_151, %convert_element_type3A_147, %dot_general3A_154 {dimension_numbers = #tpu.dot_dimension_numbers<[1], [0], [0], [1], [0, 0, 1, 1], [], []>, transpose_lhs_hint = false} : vector<50x100xbf16>, vector<100x100xbf16>, vector<50x100xf32> -> vector<50x100xf32>
      %add3A_156 = arith.addf %dot_general3A_153, %dot_general3A_155 : vector<50x100xf32>
      %dot_general3A_157 = arith.constant dense<0.000000e+00> : vector<50x100xf32>
      %dot_general3A_158 = tpu.matmul %convert_element_type3A_151, %convert_element_type3A_150, %dot_general3A_157 {dimension_numbers = #tpu.dot_dimension_numbers<[1], [0], [0], [1], [0, 0, 1, 1], [], []>, transpose_lhs_hint = false} : vector<50x100xbf16>, vector<100x100xbf16>, vector<50x100xf32> -> vector<50x100xf32>
      %add3A_159 = arith.addf %add3A_156, %dot_general3A_158 : vector<50x100xf32>
      %convert_element_type3A_160 = arith.truncf %add3A_159 : vector<50x100xf32> to vector<50x100xbf16>
      %convert_element_type3A_161 = arith.extf %convert_element_type3A_160 : vector<50x100xbf16> to vector<50x100xf32>
      %sub3A_162 = arith.subf %add3A_159, %convert_element_type3A_161 : vector<50x100xf32>
      %convert_element_type3A_163 = arith.truncf %sub3A_162 : vector<50x100xf32> to vector<50x100xbf16>
      %convert_element_type3A_164 = arith.extf %convert_element_type3A_163 : vector<50x100xbf16> to vector<50x100xf32>
      %sub3A_165 = arith.subf %sub3A_162, %convert_element_type3A_164 : vector<50x100xf32>
      %convert_element_type3A_166 = arith.truncf %sub3A_165 : vector<50x100xf32> to vector<50x100xbf16>
      %convert_element_type3A_167 = arith.truncf %convert_element_type3A_120 : vector<50x100xf32> to vector<50x100xbf16>
      %dot_general3A_168 = arith.constant dense<0.000000e+00> : vector<50x50xf32>
      %dot_general3A_169 = tpu.matmul %convert_element_type3A_160, %convert_element_type3A_167, %dot_general3A_168 {dimension_numbers = #tpu.dot_dimension_numbers<[1], [1], [0], [0], [0, 0, 1, 0], [], []>, transpose_lhs_hint = false} : vector<50x100xbf16>, vector<50x100xbf16>, vector<50x50xf32> -> vector<50x50xf32>
      %dot_general3A_170 = arith.constant dense<0.000000e+00> : vector<50x50xf32>
      %dot_general3A_171 = tpu.matmul %convert_element_type3A_163, %convert_element_type3A_167, %dot_general3A_170 {dimension_numbers = #tpu.dot_dimension_numbers<[1], [1], [0], [0], [0, 0, 1, 0], [], []>, transpose_lhs_hint = false} : vector<50x100xbf16>, vector<50x100xbf16>, vector<50x50xf32> -> vector<50x50xf32>
      %add3A_172 = arith.addf %dot_general3A_169, %dot_general3A_171 : vector<50x50xf32>
      %dot_general3A_173 = arith.constant dense<0.000000e+00> : vector<50x50xf32>
      %dot_general3A_174 = tpu.matmul %convert_element_type3A_166, %convert_element_type3A_167, %dot_general3A_173 {dimension_numbers = #tpu.dot_dimension_numbers<[1], [1], [0], [0], [0, 0, 1, 0], [], []>, transpose_lhs_hint = false} : vector<50x100xbf16>, vector<50x100xbf16>, vector<50x50xf32> -> vector<50x50xf32>
      %add3A_175 = arith.addf %add3A_172, %dot_general3A_174 : vector<50x50xf32>
      %get3A_176 = arith.constant 0 : index
      %get3A_177 = arith.constant 0 : index
      %get3A_178 = vector.load %arg12[%get3A_176, %get3A_177] : memref<128x1xf32, #tpu.memory_space<vmem>>, vector<128x1xf32>
      %convert_element_type3A_179 = arith.truncf %mul3A_143 : vector<50x128xf32> to vector<50x128xbf16>
      %convert_element_type3A_180 = arith.truncf %get3A_178 : vector<128x1xf32> to vector<128x1xbf16>
      %dot_general3A_181 = arith.constant dense<0.000000e+00> : vector<50x1xf32>
      %dot_general3A_182 = tpu.matmul %convert_element_type3A_179, %convert_element_type3A_180, %dot_general3A_181 {dimension_numbers = #tpu.dot_dimension_numbers<[1], [0], [0], [1], [0, 0, 1, 1], [], []>, transpose_lhs_hint = false} : vector<50x128xbf16>, vector<128x1xbf16>, vector<50x1xf32> -> vector<50x1xf32>
      %get3A_183 = arith.constant 0 : index
      %get3A_184 = arith.constant 0 : index
      %get3A_185 = vector.load %arg13[%get3A_183, %get3A_184] : memref<1x128xf32, #tpu.memory_space<vmem>>, vector<1x128xf32>
      %convert_element_type3A_186 = arith.truncf %get3A_185 : vector<1x128xf32> to vector<1x128xbf16>
      %convert_element_type3A_187 = arith.truncf %mul3A_143 : vector<50x128xf32> to vector<50x128xbf16>
      %dot_general3A_188 = arith.constant dense<0.000000e+00> : vector<1x50xf32>
      %dot_general3A_189 = tpu.matmul %convert_element_type3A_186, %convert_element_type3A_187, %dot_general3A_188 {dimension_numbers = #tpu.dot_dimension_numbers<[1], [1], [0], [0], [0, 0, 1, 0], [], []>, transpose_lhs_hint = false} : vector<1x128xbf16>, vector<50x128xbf16>, vector<1x50xf32> -> vector<1x50xf32>
      %add3A_190 = vector.broadcast %dot_general3A_182 : vector<50x1xf32> to vector<50x50xf32>
      %add3A_191 = vector.broadcast %dot_general3A_189 : vector<1x50xf32> to vector<50x50xf32>
      %add3A_192 = arith.addf %add3A_190, %add3A_191 : vector<50x50xf32>
      %max3A_193 = arith.constant 0.000000e+00 : f32
      %max3A_194 = vector.broadcast %max3A_193 : f32 to vector<50x50xf32>
      %max3A_195 = arith.maximumf %add3A_192, %max3A_194 : vector<50x50xf32>
      %mul3A_196 = arith.constant 1.000000e+00 : f32
      %mul3A_197 = vector.broadcast %mul3A_196 : f32 to vector<50x50xf32>
      %mul3A_198 = arith.mulf %mul3A_197, %add3A_175 : vector<50x50xf32>
      %add3A_199 = arith.addf %max3A_195, %mul3A_198 : vector<50x50xf32>
      %reduce_max3A = arith.constant dense<0xFF800000> : vector<50xf32>
      %reduce_max3A_200 = vector.multi_reduction <maximumf>, %add3A_199, %reduce_max3A [1] : vector<50x50xf32> to vector<50xf32>
      %broadcast_in_dim3A_201 = vector.shape_cast %reduce_max3A_200 : vector<50xf32> to vector<50x1xf32>
      %sub3A_202 = vector.broadcast %broadcast_in_dim3A_201 : vector<50x1xf32> to vector<50x50xf32>
      %sub3A_203 = arith.subf %add3A_199, %sub3A_202 : vector<50x50xf32>
      %exp3A = math.exp %sub3A_203 : vector<50x50xf32>
      %reduce_sum3A_204 = arith.constant dense<0.000000e+00> : vector<50xf32>
      %reduce_sum3A_205 = vector.multi_reduction <add>, %exp3A, %reduce_sum3A_204 [1] : vector<50x50xf32> to vector<50xf32>
      %broadcast_in_dim3A_206 = vector.shape_cast %reduce_sum3A_205 : vector<50xf32> to vector<50x1xf32>
      %div3A = vector.broadcast %broadcast_in_dim3A_206 : vector<50x1xf32> to vector<50x50xf32>
      %div3A_207 = arith.divf %exp3A, %div3A : vector<50x50xf32>
      %convert_element_type3A_208 = arith.truncf %div3A_207 : vector<50x50xf32> to vector<50x50xbf16>
      %convert_element_type3A_209 = arith.truncf %mul3A_143 : vector<50x128xf32> to vector<50x128xbf16>
      %dot_general3A_210 = arith.constant dense<0.000000e+00> : vector<50x128xf32>
      %dot_general3A_211 = tpu.matmul %convert_element_type3A_208, %convert_element_type3A_209, %dot_general3A_210 {dimension_numbers = #tpu.dot_dimension_numbers<[1], [0], [0], [1], [0, 0, 1, 1], [], []>, transpose_lhs_hint = false} : vector<50x50xbf16>, vector<50x128xbf16>, vector<50x128xf32> -> vector<50x128xf32>
      %get3A_212 = arith.constant 0 : index
      %get3A_213 = arith.constant 0 : index
      %get3A_214 = vector.load %arg14[%get3A_212, %get3A_213] : memref<128x128xf32, #tpu.memory_space<vmem>>, vector<128x128xf32>
      %convert_element_type3A_215 = arith.truncf %dot_general3A_211 : vector<50x128xf32> to vector<50x128xbf16>
      %convert_element_type3A_216 = arith.truncf %get3A_214 : vector<128x128xf32> to vector<128x128xbf16>
      %dot_general3A_217 = arith.constant dense<0.000000e+00> : vector<50x128xf32>
      %dot_general3A_218 = tpu.matmul %convert_element_type3A_215, %convert_element_type3A_216, %dot_general3A_217 {dimension_numbers = #tpu.dot_dimension_numbers<[1], [0], [0], [1], [0, 0, 1, 1], [], []>, transpose_lhs_hint = false} : vector<50x128xbf16>, vector<128x128xbf16>, vector<50x128xf32> -> vector<50x128xf32>
      %get3A_219 = arith.constant 0 : index
      %get3A_220 = arith.constant 0 : index
      %get3A_221 = vector.load %arg15[%get3A_219, %get3A_220] : memref<1x128xf32, #tpu.memory_space<vmem>>, vector<1x128xf32>
      %add3A_222 = vector.broadcast %get3A_221 : vector<1x128xf32> to vector<50x128xf32>
      %add3A_223 = arith.addf %dot_general3A_218, %add3A_222 : vector<50x128xf32>
      %max3A_224 = arith.constant 0.000000e+00 : f32
      %max3A_225 = vector.broadcast %max3A_224 : f32 to vector<50x128xf32>
      %max3A_226 = arith.maximumf %add3A_223, %max3A_225 : vector<50x128xf32>
      %reduce_max3A_227 = arith.constant dense<0xFF800000> : vector<128xf32>
      %reduce_max3A_228 = vector.multi_reduction <maximumf>, %mul3A_143, %reduce_max3A_227 [0] : vector<50x128xf32> to vector<128xf32>
      %broadcast_in_dim3A_229 = vector.shape_cast %reduce_max3A_228 : vector<128xf32> to vector<1x128xf32>
      %reduce_sum3A_230 = arith.constant dense<0.000000e+00> : vector<128xf32>
      %reduce_sum3A_231 = vector.multi_reduction <add>, %mul3A_143, %reduce_sum3A_230 [0] : vector<50x128xf32> to vector<128xf32>
      %broadcast_in_dim3A_232 = vector.shape_cast %reduce_sum3A_231 : vector<128xf32> to vector<1x128xf32>
      %div3A_233 = arith.constant 5.000000e+01 : f32
      %div3A_234 = vector.broadcast %div3A_233 : f32 to vector<1x128xf32>
      %div3A_235 = arith.divf %broadcast_in_dim3A_232, %div3A_234 : vector<1x128xf32>
      %concatenate3A = tpu.concatenate %broadcast_in_dim3A_229, %div3A_235 in 1 : vector<1x128xf32>, vector<1x128xf32> -> vector<1x256xf32>
      %reduce_max3A_236 = arith.constant dense<0xFF800000> : vector<128xf32>
      %reduce_max3A_237 = vector.multi_reduction <maximumf>, %max3A_226, %reduce_max3A_236 [0] : vector<50x128xf32> to vector<128xf32>
      %broadcast_in_dim3A_238 = vector.shape_cast %reduce_max3A_237 : vector<128xf32> to vector<1x128xf32>
      %reduce_sum3A_239 = arith.constant dense<0.000000e+00> : vector<128xf32>
      %reduce_sum3A_240 = vector.multi_reduction <add>, %max3A_226, %reduce_sum3A_239 [0] : vector<50x128xf32> to vector<128xf32>
      %broadcast_in_dim3A_241 = vector.shape_cast %reduce_sum3A_240 : vector<128xf32> to vector<1x128xf32>
      %div3A_242 = arith.constant 5.000000e+01 : f32
      %div3A_243 = vector.broadcast %div3A_242 : f32 to vector<1x128xf32>
      %div3A_244 = arith.divf %broadcast_in_dim3A_241, %div3A_243 : vector<1x128xf32>
      %concatenate3A_245 = tpu.concatenate %broadcast_in_dim3A_238, %div3A_244 in 1 : vector<1x128xf32>, vector<1x128xf32> -> vector<1x256xf32>
      %get3A_246 = arith.index_cast %add3A_23 : i32 to index
      %get3A_247 = arith.constant 0 : index
      %get3A_248 = arith.constant 0 : index
      %get3A_249 = vector.load %arg28[%get3A_246, %get3A_247, %get3A_248] : memref<50x1x256xf32, #tpu.memory_space<vmem>>, vector<1x1x256xf32>
      %get3A_250 = vector.shape_cast %get3A_249 : vector<1x1x256xf32> to vector<1x256xf32>
      %max3A_251 = arith.constant 0.000000e+00 : f32
      %max3A_252 = vector.broadcast %max3A_251 : f32 to vector<1x256xf32>
      %max3A_253 = arith.maximumf %get3A_250, %max3A_252 : vector<1x256xf32>
      %max3A_254 = arith.constant 0.000000e+00 : f32
      %max3A_255 = vector.broadcast %max3A_254 : f32 to vector<1x256xf32>
      %max3A_256 = arith.maximumf %concatenate3A, %max3A_255 : vector<1x256xf32>
      %add3A_257 = arith.addf %max3A_253, %max3A_256 : vector<1x256xf32>
      %max3A_258 = arith.constant 0.000000e+00 : f32
      %max3A_259 = vector.broadcast %max3A_258 : f32 to vector<1x256xf32>
      %max3A_260 = arith.maximumf %concatenate3A_245, %max3A_259 : vector<1x256xf32>
      %add3A_261 = arith.addf %add3A_257, %max3A_260 : vector<1x256xf32>
      %swap3A_262 = arith.index_cast %add3A_23 : i32 to index
      %swap3A_263 = arith.constant 0 : index
      %swap3A_264 = arith.constant 0 : index
      %swap3A_265 = vector.load %arg29[%swap3A_262, %swap3A_263, %swap3A_264] : memref<50x1x256xf32, #tpu.memory_space<vmem>>, vector<1x1x256xf32>
      %swap3A_266 = vector.shape_cast %swap3A_265 : vector<1x1x256xf32> to vector<1x256xf32>
      %swap3A_267 = vector.shape_cast %add3A_261 : vector<1x256xf32> to vector<1x1x256xf32>
      tpu.vector_store %arg29[%swap3A_262, %swap3A_263, %swap3A_264], %swap3A_267 {strides = array<i32>} : memref<50x1x256xf32, #tpu.memory_space<vmem>>, vector<1x1x256xf32>,
      %mul3A_268 = arith.constant 2 : i32
      %mul3A_269 = arith.muli %mul3A_268, %arg1 : i32
      %add3A_270 = arith.constant 1 : i32
      %add3A_271 = arith.addi %mul3A_269, %add3A_270 : i32
      %get3A_272 = arith.index_cast %add3A_271 : i32 to index
      %get3A_273 = arith.constant 0 : index
      %get3A_274 = arith.constant 0 : index
      %get3A_275 = vector.load %arg25[%get3A_272, %get3A_273, %get3A_274] : memref<50x200x128xf32, #tpu.memory_space<vmem>>, vector<1x200x128xf32>
      %get3A_276 = vector.shape_cast %get3A_275 : vector<1x200x128xf32> to vector<200x128xf32>
      %swap3A_277 = arith.constant 1 : index
      %swap3A_278 = arith.constant 0 : index
      %swap3A_279 = arith.constant 0 : index
      %swap3A_280 = vector.load %arg22[%swap3A_277, %swap3A_278, %swap3A_279] : memref<2x200x128xf32, #tpu.memory_space<vmem>>, vector<1x200x128xf32>
      %swap3A_281 = vector.shape_cast %swap3A_280 : vector<1x200x128xf32> to vector<200x128xf32>
      %swap3A_282 = vector.shape_cast %get3A_276 : vector<200x128xf32> to vector<1x200x128xf32>
      tpu.vector_store %arg22[%swap3A_277, %swap3A_278, %swap3A_279], %swap3A_282 {strides = array<i32>} : memref<2x200x128xf32, #tpu.memory_space<vmem>>, vector<1x200x128xf32>,
      %get3A_283 = arith.index_cast %add3A_271 : i32 to index
      %get3A_284 = arith.constant 0 : index
      %get3A_285 = arith.constant 0 : index
      %get3A_286 = vector.load %arg26[%get3A_283, %get3A_284, %get3A_285] : memref<50x100x128xf32, #tpu.memory_space<vmem>>, vector<1x100x128xf32>
      %get3A_287 = vector.shape_cast %get3A_286 : vector<1x100x128xf32> to vector<100x128xf32>
      %get3A_288 = arith.index_cast %add3A_271 : i32 to index
      %get3A_289 = arith.constant 0 : index
      %get3A_290 = arith.constant 0 : index
      %get3A_291 = vector.load %arg27[%get3A_288, %get3A_289, %get3A_290] : memref<50x100x100xf32, #tpu.memory_space<vmem>>, vector<1x100x100xf32>
      %get3A_292 = vector.shape_cast %get3A_291 : vector<1x100x100xf32> to vector<100x100xf32>
      %sub3A_293 = vector.broadcast %mul3A_10 : vector<1x128xf32> to vector<100x128xf32>
      %sub3A_294 = arith.subf %get3A_287, %sub3A_293 : vector<100x128xf32>
      %mul3A_295 = vector.broadcast %rsqrt3A : vector<1x128xf32> to vector<100x128xf32>
      %mul3A_296 = arith.mulf %sub3A_294, %mul3A_295 : vector<100x128xf32>
      %get3A_297 = arith.constant 0 : index
      %get3A_298 = arith.constant 0 : index
      %get3A_299 = vector.load %arg8[%get3A_297, %get3A_298] : memref<1x128xf32, #tpu.memory_space<vmem>>, vector<1x128xf32>
      %mul3A_300 = vector.broadcast %get3A_299 : vector<1x128xf32> to vector<100x128xf32>
      %mul3A_301 = arith.mulf %mul3A_296, %mul3A_300 : vector<100x128xf32>
      %get3A_302 = arith.constant 0 : index
      %get3A_303 = arith.constant 0 : index
      %get3A_304 = vector.load %arg9[%get3A_302, %get3A_303] : memref<1x128xf32, #tpu.memory_space<vmem>>, vector<1x128xf32>
      %add3A_305 = vector.broadcast %get3A_304 : vector<1x128xf32> to vector<100x128xf32>
      %add3A_306 = arith.addf %mul3A_301, %add3A_305 : vector<100x128xf32>
      %convert_element_type3A_307 = arith.truncf %get3A_292 : vector<100x100xf32> to vector<100x100xbf16>
      %convert_element_type3A_308 = arith.truncf %add3A_306 : vector<100x128xf32> to vector<100x128xbf16>
      %dot_general3A_309 = arith.constant dense<0.000000e+00> : vector<100x128xf32>
      %dot_general3A_310 = tpu.matmul %convert_element_type3A_307, %convert_element_type3A_308, %dot_general3A_309 {dimension_numbers = #tpu.dot_dimension_numbers<[1], [0], [0], [1], [0, 0, 1, 1], [], []>, transpose_lhs_hint = false} : vector<100x100xbf16>, vector<100x128xbf16>, vector<100x128xf32> -> vector<100x128xf32>
      %get3A_311 = arith.constant 0 : index
      %get3A_312 = arith.constant 0 : index
      %get3A_313 = vector.load %arg10[%get3A_311, %get3A_312] : memref<128x128xf32, #tpu.memory_space<vmem>>, vector<128x128xf32>
      %convert_element_type3A_314 = arith.truncf %dot_general3A_310 : vector<100x128xf32> to vector<100x128xbf16>
      %convert_element_type3A_315 = arith.truncf %get3A_313 : vector<128x128xf32> to vector<128x128xbf16>
      %dot_general3A_316 = arith.constant dense<0.000000e+00> : vector<100x128xf32>
      %dot_general3A_317 = tpu.matmul %convert_element_type3A_314, %convert_element_type3A_315, %dot_general3A_316 {dimension_numbers = #tpu.dot_dimension_numbers<[1], [0], [0], [1], [0, 0, 1, 1], [], []>, transpose_lhs_hint = false} : vector<100x128xbf16>, vector<128x128xbf16>, vector<100x128xf32> -> vector<100x128xf32>
      %get3A_318 = arith.constant 0 : index
      %get3A_319 = arith.constant 0 : index
      %get3A_320 = vector.load %arg11[%get3A_318, %get3A_319] : memref<1x128xf32, #tpu.memory_space<vmem>>, vector<1x128xf32>
      %add3A_321 = vector.broadcast %get3A_320 : vector<1x128xf32> to vector<100x128xf32>
      %add3A_322 = arith.addf %dot_general3A_317, %add3A_321 : vector<100x128xf32>
      %max3A_323 = arith.constant 0.000000e+00 : f32
      %max3A_324 = vector.broadcast %max3A_323 : f32 to vector<100x128xf32>
      %max3A_325 = arith.maximumf %add3A_322, %max3A_324 : vector<100x128xf32>
      %convert_element_type3A_326 = arith.truncf %get3A_292 : vector<100x100xf32> to vector<100x100xbf16>
      %convert_element_type3A_327 = arith.truncf %max3A_325 : vector<100x128xf32> to vector<100x128xbf16>
      %dot_general3A_328 = arith.constant dense<0.000000e+00> : vector<100x128xf32>
      %dot_general3A_329 = tpu.matmul %convert_element_type3A_326, %convert_element_type3A_327, %dot_general3A_328 {dimension_numbers = #tpu.dot_dimension_numbers<[1], [0], [0], [1], [0, 0, 1, 1], [], []>, transpose_lhs_hint = false} : vector<100x100xbf16>, vector<100x128xbf16>, vector<100x128xf32> -> vector<100x128xf32>
      %sub3A_330 = arith.subf %max3A_325, %dot_general3A_329 : vector<100x128xf32>
      %abs3A_331 = math.absf %sub3A_330 : vector<100x128xf32>
      %reduce_sum3A_332 = arith.constant dense<0.000000e+00> : vector<100xf32>
      %reduce_sum3A_333 = vector.multi_reduction <add>, %abs3A_331, %reduce_sum3A_332 [1] : vector<100x128xf32> to vector<100xf32>
      %broadcast_in_dim3A_334 = vector.shape_cast %reduce_sum3A_333 : vector<100xf32> to vector<100x1xf32>
      %iota3A_335 = tpu.iota {dimensions = array<i32: 0>} : vector<100x100xi32>
      %iota3A_336 = tpu.iota {dimensions = array<i32: 1>} : vector<100x100xi32>
      %eq3A_337 = arith.cmpi eq, %iota3A_335, %iota3A_336 : vector<100x100xi32>
      %convert_element_type3A_338 = arith.extui %eq3A_337 : vector<100x100xi1> to vector<100x100xi32>
      %convert_element_type3A_339 = arith.sitofp %convert_element_type3A_338 : vector<100x100xi32> to vector<100x100xf32>
      %mul3A_340 = vector.broadcast %broadcast_in_dim3A_334 : vector<100x1xf32> to vector<100x100xf32>
      %mul3A_341 = arith.mulf %convert_element_type3A_339, %mul3A_340 : vector<100x100xf32>
      %reduce_sum3A_342 = arith.constant dense<0.000000e+00> : vector<100xf32>
      %reduce_sum3A_343 = vector.multi_reduction <add>, %mul3A_341, %reduce_sum3A_342 [0] : vector<100x100xf32> to vector<100xf32>
      %broadcast_in_dim3A_344 = vector.shape_cast %reduce_sum3A_343 : vector<100xf32> to vector<1x100xf32>
      %gt3A_345 = vector.broadcast %broadcast_in_dim3A_344 : vector<1x100xf32> to vector<100x100xf32>
      %gt3A_346 = vector.broadcast %broadcast_in_dim3A_334 : vector<100x1xf32> to vector<100x100xf32>
      %gt3A_347 = arith.cmpf ogt, %gt3A_345, %gt3A_346 : vector<100x100xf32>
      %convert_element_type3A_348 = arith.extui %gt3A_347 : vector<100x100xi1> to vector<100x100xi32>
      %convert_element_type3A_349 = arith.sitofp %convert_element_type3A_348 : vector<100x100xi32> to vector<100x100xf32>
      %iota3A_350 = tpu.iota {dimensions = array<i32: 1>} : vector<100x100xi32>
      %iota3A_351 = tpu.iota {dimensions = array<i32: 0>} : vector<100x100xi32>
      %lt3A_352 = arith.cmpi slt, %iota3A_350, %iota3A_351 : vector<100x100xi32>
      %eq3A_353 = vector.broadcast %broadcast_in_dim3A_344 : vector<1x100xf32> to vector<100x100xf32>
      %eq3A_354 = vector.broadcast %broadcast_in_dim3A_334 : vector<100x1xf32> to vector<100x100xf32>
      %eq3A_355 = arith.cmpf oeq, %eq3A_353, %eq3A_354 : vector<100x100xf32>
      %and3A_356 = arith.andi %eq3A_355, %lt3A_352 : vector<100x100xi1>
      %convert_element_type3A_357 = arith.extui %and3A_356 : vector<100x100xi1> to vector<100x100xi32>
      %convert_element_type3A_358 = arith.sitofp %convert_element_type3A_357 : vector<100x100xi32> to vector<100x100xf32>
      %add3A_359 = arith.addf %convert_element_type3A_349, %convert_element_type3A_358 : vector<100x100xf32>
      %reduce_sum3A_360 = arith.constant dense<0.000000e+00> : vector<100xf32>
      %reduce_sum3A_361 = vector.multi_reduction <add>, %add3A_359, %reduce_sum3A_360 [1] : vector<100x100xf32> to vector<100xf32>
      %broadcast_in_dim3A_362 = vector.shape_cast %reduce_sum3A_361 : vector<100xf32> to vector<100x1xf32>
      %iota3A_363 = tpu.iota {dimensions = array<i32: 0>} : vector<100x100xi32>
      %iota3A_364 = tpu.iota {dimensions = array<i32: 1>} : vector<100x100xi32>
      %eq3A_365 = arith.cmpi eq, %iota3A_363, %iota3A_364 : vector<100x100xi32>
      %convert_element_type3A_366 = arith.extui %eq3A_365 : vector<100x100xi1> to vector<100x100xi32>
      %convert_element_type3A_367 = arith.sitofp %convert_element_type3A_366 : vector<100x100xi32> to vector<100x100xf32>
      %mul3A_368 = vector.broadcast %broadcast_in_dim3A_362 : vector<100x1xf32> to vector<100x100xf32>
      %mul3A_369 = arith.mulf %convert_element_type3A_367, %mul3A_368 : vector<100x100xf32>
      %reduce_sum3A_370 = arith.constant dense<0.000000e+00> : vector<100xf32>
      %reduce_sum3A_371 = vector.multi_reduction <add>, %mul3A_369, %reduce_sum3A_370 [0] : vector<100x100xf32> to vector<100xf32>
      %broadcast_in_dim3A_372 = vector.shape_cast %reduce_sum3A_371 : vector<100xf32> to vector<1x100xf32>
      %iota3A_373 = tpu.iota {dimensions = array<i32: 0>} : vector<50x100xi32>
      %convert_element_type3A_374 = arith.sitofp %iota3A_373 : vector<50x100xi32> to vector<50x100xf32>
      %eq3A_375 = vector.broadcast %broadcast_in_dim3A_372 : vector<1x100xf32> to vector<50x100xf32>
      %eq3A_376 = arith.cmpf oeq, %convert_element_type3A_374, %eq3A_375 : vector<50x100xf32>
      %convert_element_type3A_377 = arith.extui %eq3A_376 : vector<50x100xi1> to vector<50x100xi32>
      %convert_element_type3A_378 = arith.sitofp %convert_element_type3A_377 : vector<50x100xi32> to vector<50x100xf32>
      %mul3A_379 = vector.broadcast %broadcast_in_dim3A_344 : vector<1x100xf32> to vector<50x100xf32>
      %mul3A_380 = arith.mulf %convert_element_type3A_378, %mul3A_379 : vector<50x100xf32>
      %reduce_sum3A_381 = arith.constant dense<0.000000e+00> : vector<50xf32>
      %reduce_sum3A_382 = vector.multi_reduction <add>, %mul3A_380, %reduce_sum3A_381 [1] : vector<50x100xf32> to vector<50xf32>
      %broadcast_in_dim3A_383 = vector.shape_cast %reduce_sum3A_382 : vector<50xf32> to vector<50x1xf32>
      %convert_element_type3A_384 = arith.truncf %max3A_325 : vector<100x128xf32> to vector<100x128xbf16>
      %convert_element_type3A_385 = arith.extf %convert_element_type3A_384 : vector<100x128xbf16> to vector<100x128xf32>
      %sub3A_386 = arith.subf %max3A_325, %convert_element_type3A_385 : vector<100x128xf32>
      %convert_element_type3A_387 = arith.truncf %sub3A_386 : vector<100x128xf32> to vector<100x128xbf16>
      %convert_element_type3A_388 = arith.extf %convert_element_type3A_387 : vector<100x128xbf16> to vector<100x128xf32>
      %sub3A_389 = arith.subf %sub3A_386, %convert_element_type3A_388 : vector<100x128xf32>
      %convert_element_type3A_390 = arith.truncf %sub3A_389 : vector<100x128xf32> to vector<100x128xbf16>
      %convert_element_type3A_391 = arith.truncf %convert_element_type3A_378 : vector<50x100xf32> to vector<50x100xbf16>
      %dot_general3A_392 = arith.constant dense<0.000000e+00> : vector<50x128xf32>
      %dot_general3A_393 = tpu.matmul %convert_element_type3A_391, %convert_element_type3A_384, %dot_general3A_392 {dimension_numbers = #tpu.dot_dimension_numbers<[1], [0], [0], [1], [0, 0, 1, 1], [], []>, transpose_lhs_hint = false} : vector<50x100xbf16>, vector<100x128xbf16>, vector<50x128xf32> -> vector<50x128xf32>
      %dot_general3A_394 = arith.constant dense<0.000000e+00> : vector<50x128xf32>
      %dot_general3A_395 = tpu.matmul %convert_element_type3A_391, %convert_element_type3A_387, %dot_general3A_394 {dimension_numbers = #tpu.dot_dimension_numbers<[1], [0], [0], [1], [0, 0, 1, 1], [], []>, transpose_lhs_hint = false} : vector<50x100xbf16>, vector<100x128xbf16>, vector<50x128xf32> -> vector<50x128xf32>
      %add3A_396 = arith.addf %dot_general3A_393, %dot_general3A_395 : vector<50x128xf32>
      %dot_general3A_397 = arith.constant dense<0.000000e+00> : vector<50x128xf32>
      %dot_general3A_398 = tpu.matmul %convert_element_type3A_391, %convert_element_type3A_390, %dot_general3A_397 {dimension_numbers = #tpu.dot_dimension_numbers<[1], [0], [0], [1], [0, 0, 1, 1], [], []>, transpose_lhs_hint = false} : vector<50x100xbf16>, vector<100x128xbf16>, vector<50x128xf32> -> vector<50x128xf32>
      %add3A_399 = arith.addf %add3A_396, %dot_general3A_398 : vector<50x128xf32>
      %tanh3A_400 = math.tanh %broadcast_in_dim3A_383 : vector<50x1xf32>
      %mul3A_401 = vector.broadcast %tanh3A_400 : vector<50x1xf32> to vector<50x128xf32>
      %mul3A_402 = arith.mulf %add3A_399, %mul3A_401 : vector<50x128xf32>
      %convert_element_type3A_403 = arith.truncf %get3A_292 : vector<100x100xf32> to vector<100x100xbf16>
      %convert_element_type3A_404 = arith.extf %convert_element_type3A_403 : vector<100x100xbf16> to vector<100x100xf32>
      %sub3A_405 = arith.subf %get3A_292, %convert_element_type3A_404 : vector<100x100xf32>
      %convert_element_type3A_406 = arith.truncf %sub3A_405 : vector<100x100xf32> to vector<100x100xbf16>
      %convert_element_type3A_407 = arith.extf %convert_element_type3A_406 : vector<100x100xbf16> to vector<100x100xf32>
      %sub3A_408 = arith.subf %sub3A_405, %convert_element_type3A_407 : vector<100x100xf32>
      %convert_element_type3A_409 = arith.truncf %sub3A_408 : vector<100x100xf32> to vector<100x100xbf16>
      %convert_element_type3A_410 = arith.truncf %convert_element_type3A_378 : vector<50x100xf32> to vector<50x100xbf16>
      %dot_general3A_411 = arith.constant dense<0.000000e+00> : vector<50x100xf32>
      %dot_general3A_412 = tpu.matmul %convert_element_type3A_410, %convert_element_type3A_403, %dot_general3A_411 {dimension_numbers = #tpu.dot_dimension_numbers<[1], [0], [0], [1], [0, 0, 1, 1], [], []>, transpose_lhs_hint = false} : vector<50x100xbf16>, vector<100x100xbf16>, vector<50x100xf32> -> vector<50x100xf32>
      %dot_general3A_413 = arith.constant dense<0.000000e+00> : vector<50x100xf32>
      %dot_general3A_414 = tpu.matmul %convert_element_type3A_410, %convert_element_type3A_406, %dot_general3A_413 {dimension_numbers = #tpu.dot_dimension_numbers<[1], [0], [0], [1], [0, 0, 1, 1], [], []>, transpose_lhs_hint = false} : vector<50x100xbf16>, vector<100x100xbf16>, vector<50x100xf32> -> vector<50x100xf32>
      %add3A_415 = arith.addf %dot_general3A_412, %dot_general3A_414 : vector<50x100xf32>
      %dot_general3A_416 = arith.constant dense<0.000000e+00> : vector<50x100xf32>
      %dot_general3A_417 = tpu.matmul %convert_element_type3A_410, %convert_element_type3A_409, %dot_general3A_416 {dimension_numbers = #tpu.dot_dimension_numbers<[1], [0], [0], [1], [0, 0, 1, 1], [], []>, transpose_lhs_hint = false} : vector<50x100xbf16>, vector<100x100xbf16>, vector<50x100xf32> -> vector<50x100xf32>
      %add3A_418 = arith.addf %add3A_415, %dot_general3A_417 : vector<50x100xf32>
      %convert_element_type3A_419 = arith.truncf %add3A_418 : vector<50x100xf32> to vector<50x100xbf16>
      %convert_element_type3A_420 = arith.extf %convert_element_type3A_419 : vector<50x100xbf16> to vector<50x100xf32>
      %sub3A_421 = arith.subf %add3A_418, %convert_element_type3A_420 : vector<50x100xf32>
      %convert_element_type3A_422 = arith.truncf %sub3A_421 : vector<50x100xf32> to vector<50x100xbf16>
      %convert_element_type3A_423 = arith.extf %convert_element_type3A_422 : vector<50x100xbf16> to vector<50x100xf32>
      %sub3A_424 = arith.subf %sub3A_421, %convert_element_type3A_423 : vector<50x100xf32>
      %convert_element_type3A_425 = arith.truncf %sub3A_424 : vector<50x100xf32> to vector<50x100xbf16>
      %convert_element_type3A_426 = arith.truncf %convert_element_type3A_378 : vector<50x100xf32> to vector<50x100xbf16>
      %dot_general3A_427 = arith.constant dense<0.000000e+00> : vector<50x50xf32>
      %dot_general3A_428 = tpu.matmul %convert_element_type3A_419, %convert_element_type3A_426, %dot_general3A_427 {dimension_numbers = #tpu.dot_dimension_numbers<[1], [1], [0], [0], [0, 0, 1, 0], [], []>, transpose_lhs_hint = false} : vector<50x100xbf16>, vector<50x100xbf16>, vector<50x50xf32> -> vector<50x50xf32>
      %dot_general3A_429 = arith.constant dense<0.000000e+00> : vector<50x50xf32>
      %dot_general3A_430 = tpu.matmul %convert_element_type3A_422, %convert_element_type3A_426, %dot_general3A_429 {dimension_numbers = #tpu.dot_dimension_numbers<[1], [1], [0], [0], [0, 0, 1, 0], [], []>, transpose_lhs_hint = false} : vector<50x100xbf16>, vector<50x100xbf16>, vector<50x50xf32> -> vector<50x50xf32>
      %add3A_431 = arith.addf %dot_general3A_428, %dot_general3A_430 : vector<50x50xf32>
      %dot_general3A_432 = arith.constant dense<0.000000e+00> : vector<50x50xf32>
      %dot_general3A_433 = tpu.matmul %convert_element_type3A_425, %convert_element_type3A_426, %dot_general3A_432 {dimension_numbers = #tpu.dot_dimension_numbers<[1], [1], [0], [0], [0, 0, 1, 0], [], []>, transpose_lhs_hint = false} : vector<50x100xbf16>, vector<50x100xbf16>, vector<50x50xf32> -> vector<50x50xf32>
      %add3A_434 = arith.addf %add3A_431, %dot_general3A_433 : vector<50x50xf32>
      %get3A_435 = arith.constant 0 : index
      %get3A_436 = arith.constant 0 : index
      %get3A_437 = vector.load %arg12[%get3A_435, %get3A_436] : memref<128x1xf32, #tpu.memory_space<vmem>>, vector<128x1xf32>
      %convert_element_type3A_438 = arith.truncf %mul3A_402 : vector<50x128xf32> to vector<50x128xbf16>
      %convert_element_type3A_439 = arith.truncf %get3A_437 : vector<128x1xf32> to vector<128x1xbf16>
      %dot_general3A_440 = arith.constant dense<0.000000e+00> : vector<50x1xf32>
      %dot_general3A_441 = tpu.matmul %convert_element_type3A_438, %convert_element_type3A_439, %dot_general3A_440 {dimension_numbers = #tpu.dot_dimension_numbers<[1], [0], [0], [1], [0, 0, 1, 1], [], []>, transpose_lhs_hint = false} : vector<50x128xbf16>, vector<128x1xbf16>, vector<50x1xf32> -> vector<50x1xf32>
      %get3A_442 = arith.constant 0 : index
      %get3A_443 = arith.constant 0 : index
      %get3A_444 = vector.load %arg13[%get3A_442, %get3A_443] : memref<1x128xf32, #tpu.memory_space<vmem>>, vector<1x128xf32>
      %convert_element_type3A_445 = arith.truncf %get3A_444 : vector<1x128xf32> to vector<1x128xbf16>
      %convert_element_type3A_446 = arith.truncf %mul3A_402 : vector<50x128xf32> to vector<50x128xbf16>
      %dot_general3A_447 = arith.constant dense<0.000000e+00> : vector<1x50xf32>
      %dot_general3A_448 = tpu.matmul %convert_element_type3A_445, %convert_element_type3A_446, %dot_general3A_447 {dimension_numbers = #tpu.dot_dimension_numbers<[1], [1], [0], [0], [0, 0, 1, 0], [], []>, transpose_lhs_hint = false} : vector<1x128xbf16>, vector<50x128xbf16>, vector<1x50xf32> -> vector<1x50xf32>
      %add3A_449 = vector.broadcast %dot_general3A_441 : vector<50x1xf32> to vector<50x50xf32>
      %add3A_450 = vector.broadcast %dot_general3A_448 : vector<1x50xf32> to vector<50x50xf32>
      %add3A_451 = arith.addf %add3A_449, %add3A_450 : vector<50x50xf32>
      %max3A_452 = arith.constant 0.000000e+00 : f32
      %max3A_453 = vector.broadcast %max3A_452 : f32 to vector<50x50xf32>
      %max3A_454 = arith.maximumf %add3A_451, %max3A_453 : vector<50x50xf32>
      %mul3A_455 = arith.constant 1.000000e+00 : f32
      %mul3A_456 = vector.broadcast %mul3A_455 : f32 to vector<50x50xf32>
      %mul3A_457 = arith.mulf %mul3A_456, %add3A_434 : vector<50x50xf32>
      %add3A_458 = arith.addf %max3A_454, %mul3A_457 : vector<50x50xf32>
      %reduce_max3A_459 = arith.constant dense<0xFF800000> : vector<50xf32>
      %reduce_max3A_460 = vector.multi_reduction <maximumf>, %add3A_458, %reduce_max3A_459 [1] : vector<50x50xf32> to vector<50xf32>
      %broadcast_in_dim3A_461 = vector.shape_cast %reduce_max3A_460 : vector<50xf32> to vector<50x1xf32>
      %sub3A_462 = vector.broadcast %broadcast_in_dim3A_461 : vector<50x1xf32> to vector<50x50xf32>
      %sub3A_463 = arith.subf %add3A_458, %sub3A_462 : vector<50x50xf32>
      %exp3A_464 = math.exp %sub3A_463 : vector<50x50xf32>
      %reduce_sum3A_465 = arith.constant dense<0.000000e+00> : vector<50xf32>
      %reduce_sum3A_466 = vector.multi_reduction <add>, %exp3A_464, %reduce_sum3A_465 [1] : vector<50x50xf32> to vector<50xf32>
      %broadcast_in_dim3A_467 = vector.shape_cast %reduce_sum3A_466 : vector<50xf32> to vector<50x1xf32>
      %div3A_468 = vector.broadcast %broadcast_in_dim3A_467 : vector<50x1xf32> to vector<50x50xf32>
      %div3A_469 = arith.divf %exp3A_464, %div3A_468 : vector<50x50xf32>
      %convert_element_type3A_470 = arith.truncf %div3A_469 : vector<50x50xf32> to vector<50x50xbf16>
      %convert_element_type3A_471 = arith.truncf %mul3A_402 : vector<50x128xf32> to vector<50x128xbf16>
      %dot_general3A_472 = arith.constant dense<0.000000e+00> : vector<50x128xf32>
      %dot_general3A_473 = tpu.matmul %convert_element_type3A_470, %convert_element_type3A_471, %dot_general3A_472 {dimension_numbers = #tpu.dot_dimension_numbers<[1], [0], [0], [1], [0, 0, 1, 1], [], []>, transpose_lhs_hint = false} : vector<50x50xbf16>, vector<50x128xbf16>, vector<50x128xf32> -> vector<50x128xf32>
      %get3A_474 = arith.constant 0 : index
      %get3A_475 = arith.constant 0 : index
      %get3A_476 = vector.load %arg14[%get3A_474, %get3A_475] : memref<128x128xf32, #tpu.memory_space<vmem>>, vector<128x128xf32>
      %convert_element_type3A_477 = arith.truncf %dot_general3A_473 : vector<50x128xf32> to vector<50x128xbf16>
      %convert_element_type3A_478 = arith.truncf %get3A_476 : vector<128x128xf32> to vector<128x128xbf16>
      %dot_general3A_479 = arith.constant dense<0.000000e+00> : vector<50x128xf32>
      %dot_general3A_480 = tpu.matmul %convert_element_type3A_477, %convert_element_type3A_478, %dot_general3A_479 {dimension_numbers = #tpu.dot_dimension_numbers<[1], [0], [0], [1], [0, 0, 1, 1], [], []>, transpose_lhs_hint = false} : vector<50x128xbf16>, vector<128x128xbf16>, vector<50x128xf32> -> vector<50x128xf32>
      %get3A_481 = arith.constant 0 : index
      %get3A_482 = arith.constant 0 : index
      %get3A_483 = vector.load %arg15[%get3A_481, %get3A_482] : memref<1x128xf32, #tpu.memory_space<vmem>>, vector<1x128xf32>
      %add3A_484 = vector.broadcast %get3A_483 : vector<1x128xf32> to vector<50x128xf32>
      %add3A_485 = arith.addf %dot_general3A_480, %add3A_484 : vector<50x128xf32>
      %max3A_486 = arith.constant 0.000000e+00 : f32
      %max3A_487 = vector.broadcast %max3A_486 : f32 to vector<50x128xf32>
      %max3A_488 = arith.maximumf %add3A_485, %max3A_487 : vector<50x128xf32>
      %reduce_max3A_489 = arith.constant dense<0xFF800000> : vector<128xf32>
      %reduce_max3A_490 = vector.multi_reduction <maximumf>, %mul3A_402, %reduce_max3A_489 [0] : vector<50x128xf32> to vector<128xf32>
      %broadcast_in_dim3A_491 = vector.shape_cast %reduce_max3A_490 : vector<128xf32> to vector<1x128xf32>
      %reduce_sum3A_492 = arith.constant dense<0.000000e+00> : vector<128xf32>
      %reduce_sum3A_493 = vector.multi_reduction <add>, %mul3A_402, %reduce_sum3A_492 [0] : vector<50x128xf32> to vector<128xf32>
      %broadcast_in_dim3A_494 = vector.shape_cast %reduce_sum3A_493 : vector<128xf32> to vector<1x128xf32>
      %div3A_495 = arith.constant 5.000000e+01 : f32
      %div3A_496 = vector.broadcast %div3A_495 : f32 to vector<1x128xf32>
      %div3A_497 = arith.divf %broadcast_in_dim3A_494, %div3A_496 : vector<1x128xf32>
      %concatenate3A_498 = tpu.concatenate %broadcast_in_dim3A_491, %div3A_497 in 1 : vector<1x128xf32>, vector<1x128xf32> -> vector<1x256xf32>
      %reduce_max3A_499 = arith.constant dense<0xFF800000> : vector<128xf32>
      %reduce_max3A_500 = vector.multi_reduction <maximumf>, %max3A_488, %reduce_max3A_499 [0] : vector<50x128xf32> to vector<128xf32>
      %broadcast_in_dim3A_501 = vector.shape_cast %reduce_max3A_500 : vector<128xf32> to vector<1x128xf32>
      %reduce_sum3A_502 = arith.constant dense<0.000000e+00> : vector<128xf32>
      %reduce_sum3A_503 = vector.multi_reduction <add>, %max3A_488, %reduce_sum3A_502 [0] : vector<50x128xf32> to vector<128xf32>
      %broadcast_in_dim3A_504 = vector.shape_cast %reduce_sum3A_503 : vector<128xf32> to vector<1x128xf32>
      %div3A_505 = arith.constant 5.000000e+01 : f32
      %div3A_506 = vector.broadcast %div3A_505 : f32 to vector<1x128xf32>
      %div3A_507 = arith.divf %broadcast_in_dim3A_504, %div3A_506 : vector<1x128xf32>
      %concatenate3A_508 = tpu.concatenate %broadcast_in_dim3A_501, %div3A_507 in 1 : vector<1x128xf32>, vector<1x128xf32> -> vector<1x256xf32>
      %get3A_509 = arith.index_cast %add3A_271 : i32 to index
      %get3A_510 = arith.constant 0 : index
      %get3A_511 = arith.constant 0 : index
      %get3A_512 = vector.load %arg28[%get3A_509, %get3A_510, %get3A_511] : memref<50x1x256xf32, #tpu.memory_space<vmem>>, vector<1x1x256xf32>
      %get3A_513 = vector.shape_cast %get3A_512 : vector<1x1x256xf32> to vector<1x256xf32>
      %max3A_514 = arith.constant 0.000000e+00 : f32
      %max3A_515 = vector.broadcast %max3A_514 : f32 to vector<1x256xf32>
      %max3A_516 = arith.maximumf %get3A_513, %max3A_515 : vector<1x256xf32>
      %max3A_517 = arith.constant 0.000000e+00 : f32
      %max3A_518 = vector.broadcast %max3A_517 : f32 to vector<1x256xf32>
      %max3A_519 = arith.maximumf %concatenate3A_498, %max3A_518 : vector<1x256xf32>
      %add3A_520 = arith.addf %max3A_516, %max3A_519 : vector<1x256xf32>
      %max3A_521 = arith.constant 0.000000e+00 : f32
      %max3A_522 = vector.broadcast %max3A_521 : f32 to vector<1x256xf32>
      %max3A_523 = arith.maximumf %concatenate3A_508, %max3A_522 : vector<1x256xf32>
      %add3A_524 = arith.addf %add3A_520, %max3A_523 : vector<1x256xf32>
      %swap3A_525 = arith.index_cast %add3A_271 : i32 to index
      %swap3A_526 = arith.constant 0 : index
      %swap3A_527 = arith.constant 0 : index
      %swap3A_528 = vector.load %arg29[%swap3A_525, %swap3A_526, %swap3A_527] : memref<50x1x256xf32, #tpu.memory_space<vmem>>, vector<1x1x256xf32>
      %swap3A_529 = vector.shape_cast %swap3A_528 : vector<1x1x256xf32> to vector<1x256xf32>
      %swap3A_530 = vector.shape_cast %add3A_524 : vector<1x256xf32> to vector<1x1x256xf32>
      tpu.vector_store %arg29[%swap3A_525, %swap3A_526, %swap3A_527], %swap3A_530 {strides = array<i32>} : memref<50x1x256xf32, #tpu.memory_space<vmem>>, vector<1x1x256xf32>,
      %eq3A_531 = arith.constant 24 : i32
      %eq3A_532 = arith.cmpi eq, %arg1, %eq3A_531 : i32
      %convert_element_type3A_533 = arith.extui %eq3A_532 : i1 to i32
      %cond3A_534 = arith.constant 0 : i32
      %cond3A_535 = arith.cmpi ne, %convert_element_type3A_533, %cond3A_534 : i32
      scf.if %cond3A_535 {
        %get3A_536 = arith.constant 0 : index
        %get3A_537 = arith.constant 0 : index
        %get3A_538 = arith.constant 0 : index
        %get3A_539 = vector.load %arg29[%get3A_536, %get3A_537, %get3A_538] : memref<50x1x256xf32, #tpu.memory_space<vmem>>, vector<50x1x256xf32>
        %squeeze3A = vector.shape_cast %get3A_539 : vector<50x1x256xf32> to vector<50x256xf32>
        %get3A_540 = arith.constant 0 : index
        %get3A_541 = arith.constant 0 : index
        %get3A_542 = vector.load %arg16[%get3A_540, %get3A_541] : memref<256x128xf32, #tpu.memory_space<vmem>>, vector<256x128xf32>
        %convert_element_type3A_543 = arith.truncf %squeeze3A : vector<50x256xf32> to vector<50x256xbf16>
        %convert_element_type3A_544 = arith.truncf %get3A_542 : vector<256x128xf32> to vector<256x128xbf16>
        %dot_general3A_545 = arith.constant dense<0.000000e+00> : vector<50x128xf32>
        %dot_general3A_546 = tpu.matmul %convert_element_type3A_543, %convert_element_type3A_544, %dot_general3A_545 {dimension_numbers = #tpu.dot_dimension_numbers<[1], [0], [0], [1], [0, 0, 1, 1], [], []>, transpose_lhs_hint = false} : vector<50x256xbf16>, vector<256x128xbf16>, vector<50x128xf32> -> vector<50x128xf32>
        %get3A_547 = arith.constant 0 : index
        %get3A_548 = arith.constant 0 : index
        %get3A_549 = vector.load %arg17[%get3A_547, %get3A_548] : memref<1x128xf32, #tpu.memory_space<vmem>>, vector<1x128xf32>
        %add3A_550 = vector.broadcast %get3A_549 : vector<1x128xf32> to vector<50x128xf32>
        %add3A_551 = arith.addf %dot_general3A_546, %add3A_550 : vector<50x128xf32>
        %max3A_552 = arith.constant 0.000000e+00 : f32
        %max3A_553 = vector.broadcast %max3A_552 : f32 to vector<50x128xf32>
        %max3A_554 = arith.maximumf %add3A_551, %max3A_553 : vector<50x128xf32>
        %get3A_555 = arith.constant 0 : index
        %get3A_556 = arith.constant 0 : index
        %get3A_557 = vector.load %arg18[%get3A_555, %get3A_556] : memref<128x64xf32, #tpu.memory_space<vmem>>, vector<128x64xf32>
        %convert_element_type3A_558 = arith.truncf %max3A_554 : vector<50x128xf32> to vector<50x128xbf16>
        %convert_element_type3A_559 = arith.truncf %get3A_557 : vector<128x64xf32> to vector<128x64xbf16>
        %dot_general3A_560 = arith.constant dense<0.000000e+00> : vector<50x64xf32>
        %dot_general3A_561 = tpu.matmul %convert_element_type3A_558, %convert_element_type3A_559, %dot_general3A_560 {dimension_numbers = #tpu.dot_dimension_numbers<[1], [0], [0], [1], [0, 0, 1, 1], [], []>, transpose_lhs_hint = false} : vector<50x128xbf16>, vector<128x64xbf16>, vector<50x64xf32> -> vector<50x64xf32>
        %get3A_562 = arith.constant 0 : index
        %get3A_563 = arith.constant 0 : index
        %get3A_564 = vector.load %arg19[%get3A_562, %get3A_563] : memref<1x64xf32, #tpu.memory_space<vmem>>, vector<1x64xf32>
        %add3A_565 = vector.broadcast %get3A_564 : vector<1x64xf32> to vector<50x64xf32>
        %add3A_566 = arith.addf %dot_general3A_561, %add3A_565 : vector<50x64xf32>
        %max3A_567 = arith.constant 0.000000e+00 : f32
        %max3A_568 = vector.broadcast %max3A_567 : f32 to vector<50x64xf32>
        %max3A_569 = arith.maximumf %add3A_566, %max3A_568 : vector<50x64xf32>
        %swap3A_570 = arith.constant 0 : index
        %swap3A_571 = arith.constant 0 : index
        %swap3A_572 = vector.load %arg23[%swap3A_570, %swap3A_571] : memref<50x64xf32, #tpu.memory_space<vmem>>, vector<50x64xf32>
        tpu.vector_store %arg23[%swap3A_570, %swap3A_571], %max3A_569 {strides = array<i32>} : memref<50x64xf32, #tpu.memory_space<vmem>>, vector<50x64xf32>,
        %get3A_573 = arith.constant 0 : index
        %get3A_574 = arith.constant 0 : index
        %get3A_575 = vector.load %arg20[%get3A_573, %get3A_574] : memref<64x10xf32, #tpu.memory_space<vmem>>, vector<64x10xf32>
        %convert_element_type3A_576 = arith.truncf %max3A_569 : vector<50x64xf32> to vector<50x64xbf16>
        %convert_element_type3A_577 = arith.truncf %get3A_575 : vector<64x10xf32> to vector<64x10xbf16>
        %dot_general3A_578 = arith.constant dense<0.000000e+00> : vector<50x10xf32>
        %dot_general3A_579 = tpu.matmul %convert_element_type3A_576, %convert_element_type3A_577, %dot_general3A_578 {dimension_numbers = #tpu.dot_dimension_numbers<[1], [0], [0], [1], [0, 0, 1, 1], [], []>, transpose_lhs_hint = false} : vector<50x64xbf16>, vector<64x10xbf16>, vector<50x10xf32> -> vector<50x10xf32>
        %get3A_580 = arith.constant 0 : index
        %get3A_581 = arith.constant 0 : index
        %get3A_582 = vector.load %arg21[%get3A_580, %get3A_581] : memref<1x10xf32, #tpu.memory_space<vmem>>, vector<1x10xf32>
        %add3A_583 = vector.broadcast %get3A_582 : vector<1x10xf32> to vector<50x10xf32>
        %add3A_584 = arith.addf %dot_general3A_579, %add3A_583 : vector<50x10xf32>
        %reduce_max3A_585 = arith.constant dense<0xFF800000> : vector<50xf32>
        %reduce_max3A_586 = vector.multi_reduction <maximumf>, %add3A_584, %reduce_max3A_585 [1] : vector<50x10xf32> to vector<50xf32>
        %broadcast_in_dim3A_587 = vector.shape_cast %reduce_max3A_586 : vector<50xf32> to vector<50x1xf32>
        %sub3A_588 = vector.broadcast %broadcast_in_dim3A_587 : vector<50x1xf32> to vector<50x10xf32>
        %sub3A_589 = arith.subf %add3A_584, %sub3A_588 : vector<50x10xf32>
        %exp3A_590 = math.exp %sub3A_589 : vector<50x10xf32>
        %reduce_sum3A_591 = arith.constant dense<0.000000e+00> : vector<50xf32>
        %reduce_sum3A_592 = vector.multi_reduction <add>, %exp3A_590, %reduce_sum3A_591 [1] : vector<50x10xf32> to vector<50xf32>
        %broadcast_in_dim3A_593 = vector.shape_cast %reduce_sum3A_592 : vector<50xf32> to vector<50x1xf32>
        %log3A = math.log %broadcast_in_dim3A_593 : vector<50x1xf32>
        %sub3A_594 = vector.broadcast %log3A : vector<50x1xf32> to vector<50x10xf32>
        %sub3A_595 = arith.subf %sub3A_589, %sub3A_594 : vector<50x10xf32>
        %swap3A_596 = arith.constant 0 : index
        %swap3A_597 = arith.constant 0 : index
        %swap3A_598 = vector.load %arg24[%swap3A_596, %swap3A_597] : memref<50x10xf32, #tpu.memory_space<vmem>>, vector<50x10xf32>
        tpu.vector_store %arg24[%swap3A_596, %swap3A_597], %sub3A_595 {strides = array<i32>} : memref<50x10xf32, #tpu.memory_space<vmem>>, vector<50x10xf32>,
      } else {
      }
    } else {
    }
    return
  }
  func.func @transform_0(%arg0: i32, %arg1: i32) -> (i32, i32, i32) {
    %sub3A = arith.constant 1 : i32
    %sub3A_0 = arith.subi %sub3A, %arg0 : i32
    %mul3A = arith.muli %sub3A_0, %arg1 : i32
    %c0_i32 = arith.constant 0 : i32
    %c0_i32_1 = arith.constant 0 : i32
    %c0_i32_2 = arith.constant 0 : i32
    return %mul3A, %c0_i32, %c0_i32_1 : i32, i32, i32
  }
  func.func @transform_1(%arg0: i32, %arg1: i32) -> (i32, i32, i32) {
    %sub3A = arith.constant 1 : i32
    %sub3A_0 = arith.subi %sub3A, %arg0 : i32
    %mul3A = arith.muli %sub3A_0, %arg1 : i32
    %c0_i32 = arith.constant 0 : i32
    %c0_i32_1 = arith.constant 0 : i32
    %c0_i32_2 = arith.constant 0 : i32
    return %mul3A, %c0_i32, %c0_i32_1 : i32, i32, i32
  }
  func.func @transform_2(%arg0: i32, %arg1: i32) -> (i32, i32) {
    %c0_i32 = arith.constant 0 : i32
    %c0_i32_0 = arith.constant 0 : i32
    %c0_i32_1 = arith.constant 0 : i32
    return %c0_i32, %c0_i32_0 : i32, i32
  }
  func.func @transform_3(%arg0: i32, %arg1: i32) -> (i32, i32) {
    %c0_i32 = arith.constant 0 : i32
    %c0_i32_0 = arith.constant 0 : i32
    %c0_i32_1 = arith.constant 0 : i32
    return %c0_i32, %c0_i32_0 : i32, i32
  }
  func.func @transform_4(%arg0: i32, %arg1: i32) -> (i32, i32) {
    %c0_i32 = arith.constant 0 : i32
    %c0_i32_0 = arith.constant 0 : i32
    %c0_i32_1 = arith.constant 0 : i32
    return %c0_i32, %c0_i32_0 : i32, i32
  }
  func.func @transform_5(%arg0: i32, %arg1: i32) -> (i32, i32) {
    %c0_i32 = arith.constant 0 : i32
    %c0_i32_0 = arith.constant 0 : i32
    %c0_i32_1 = arith.constant 0 : i32
    return %c0_i32, %c0_i32_0 : i32, i32
  }
  func.func @transform_6(%arg0: i32, %arg1: i32) -> (i32, i32) {
    %c0_i32 = arith.constant 0 : i32
    %c0_i32_0 = arith.constant 0 : i32
    %c0_i32_1 = arith.constant 0 : i32
    return %c0_i32, %c0_i32_0 : i32, i32
  }
  func.func @transform_7(%arg0: i32, %arg1: i32) -> (i32, i32) {
    %c0_i32 = arith.constant 0 : i32
    %c0_i32_0 = arith.constant 0 : i32
    %c0_i32_1 = arith.constant 0 : i32
    return %c0_i32, %c0_i32_0 : i32, i32
  }
  func.func @transform_8(%arg0: i32, %arg1: i32) -> (i32, i32) {
    %c0_i32 = arith.constant 0 : i32
    %c0_i32_0 = arith.constant 0 : i32
    %c0_i32_1 = arith.constant 0 : i32
    return %c0_i32, %c0_i32_0 : i32, i32
  }
  func.func @transform_9(%arg0: i32, %arg1: i32) -> (i32, i32) {
    %c0_i32 = arith.constant 0 : i32
    %c0_i32_0 = arith.constant 0 : i32
    %c0_i32_1 = arith.constant 0 : i32
    return %c0_i32, %c0_i32_0 : i32, i32
  }
  func.func @transform_10(%arg0: i32, %arg1: i32) -> (i32, i32) {
    %c0_i32 = arith.constant 0 : i32
    %c0_i32_0 = arith.constant 0 : i32
    %c0_i32_1 = arith.constant 0 : i32
    return %c0_i32, %c0_i32_0 : i32, i32
  }
  func.func @transform_11(%arg0: i32, %arg1: i32) -> (i32, i32) {
    %c0_i32 = arith.constant 0 : i32
    %c0_i32_0 = arith.constant 0 : i32
    %c0_i32_1 = arith.constant 0 : i32
    return %c0_i32, %c0_i32_0 : i32, i32
  }
  func.func @transform_12(%arg0: i32, %arg1: i32) -> (i32, i32) {
    %c0_i32 = arith.constant 0 : i32
    %c0_i32_0 = arith.constant 0 : i32
    %c0_i32_1 = arith.constant 0 : i32
    return %c0_i32, %c0_i32_0 : i32, i32
  }
  func.func @transform_13(%arg0: i32, %arg1: i32) -> (i32, i32) {
    %c0_i32 = arith.constant 0 : i32
    %c0_i32_0 = arith.constant 0 : i32
    %c0_i32_1 = arith.constant 0 : i32
    return %c0_i32, %c0_i32_0 : i32, i32
  }
  func.func @transform_14(%arg0: i32, %arg1: i32) -> (i32, i32) {
    %c0_i32 = arith.constant 0 : i32
    %c0_i32_0 = arith.constant 0 : i32
    %c0_i32_1 = arith.constant 0 : i32
    return %c0_i32, %c0_i32_0 : i32, i32
  }
  func.func @transform_15(%arg0: i32, %arg1: i32) -> (i32, i32) {
    %c0_i32 = arith.constant 0 : i32
    %c0_i32_0 = arith.constant 0 : i32
    %c0_i32_1 = arith.constant 0 : i32
    return %c0_i32, %c0_i32_0 : i32, i32
  }
  func.func @transform_16(%arg0: i32, %arg1: i32) -> (i32, i32) {
    %c0_i32 = arith.constant 0 : i32
    %c0_i32_0 = arith.constant 0 : i32
    %c0_i32_1 = arith.constant 0 : i32
    return %c0_i32, %c0_i32_0 : i32, i32
  }
  func.func @transform_17(%arg0: i32, %arg1: i32) -> (i32, i32) {
    %c0_i32 = arith.constant 0 : i32
    %c0_i32_0 = arith.constant 0 : i32
    %c0_i32_1 = arith.constant 0 : i32
    return %c0_i32, %c0_i32_0 : i32, i32
  }
  func.func @transform_18(%arg0: i32, %arg1: i32) -> (i32, i32) {
    %c0_i32 = arith.constant 0 : i32
    %c0_i32_0 = arith.constant 0 : i32
    %c0_i32_1 = arith.constant 0 : i32
    return %c0_i32, %c0_i32_0 : i32, i32
  }
  func.func @transform_19(%arg0: i32, %arg1: i32) -> (i32, i32) {
    %c0_i32 = arith.constant 0 : i32
    %c0_i32_0 = arith.constant 0 : i32
    %c0_i32_1 = arith.constant 0 : i32
    return %c0_i32, %c0_i32_0 : i32, i32
  }
  func.func @transform_20(%arg0: i32, %arg1: i32) -> (i32, i32, i32) {
    %mul3A = arith.muli %arg0, %arg1 : i32
    %c0_i32 = arith.constant 0 : i32
    %c0_i32_0 = arith.constant 0 : i32
    %c0_i32_1 = arith.constant 0 : i32
    return %mul3A, %c0_i32, %c0_i32_0 : i32, i32, i32
  }
  func.func @transform_21(%arg0: i32, %arg1: i32) -> (i32, i32) {
    %c0_i32 = arith.constant 0 : i32
    %c0_i32_0 = arith.constant 0 : i32
    %c0_i32_1 = arith.constant 0 : i32
    return %c0_i32, %c0_i32_0 : i32, i32
  }
  func.func @transform_22(%arg0: i32, %arg1: i32) -> (i32, i32) {
    %c0_i32 = arith.constant 0 : i32
    %c0_i32_0 = arith.constant 0 : i32
    %c0_i32_1 = arith.constant 0 : i32
    return %c0_i32, %c0_i32_0 : i32, i32
  }
}

</mosaic_0001>

<sc_bundles>
// kernel: kernel.4.cloned.1.call-start
scs
__scs_entry_jumppad:
0x0: {  	(pc) =	sbr.rel $0x88, $3  }
0x1: {  	(tag) =	ssettag $0x0;
	lr =	simm.s32 $0x1  }
0x2: {  	[smem:$0x3F8F] =	sst lr;
	_ =	strace $0xD0000000  }
0x3: {  	_ = 	snop  }
0x4: {  	_ = 	snop  }
0x5: {  	_ = 	snop  }
0x6: {  	_ = 	snop  }
0x7: {  	_ = 	snop  }
__scs_overlays_trampoline_lowered:
0x8: {  	[smem:$0x3F9E] =	sst s0  }
0x9: {  	[smem:$0x3F9F] =	sst s1  }
0xa: {  	[smem:$0x3FA0] =	sst s2  }
0xb: {  	[smem:$0x3FA1] =	sst s3  }
0xc: {  	[smem:$0x3FA2] =	sst s4  }
0xd: {  	[smem:$0x3FA3] =	sst s5  }
0xe: {  	[smem:$0x3FA4] =	sst s6  }
0xf: {  	[smem:$0x3FA5] =	sst s7  }
0x10: {  	[smem:$0x3FA6] =	sst s8  }
0x11: {  	[smem:$0x3FA7] =	sst s9;
	s0 =	simm.s32 @!p0 $0x0  }
0x12: {  	s1 =	sld [smem:$0x3F8D];
	s0 =	simm.s32 @p0 $0x1  }
0x13: {  	[smem:$0x3FA8] =	sst s0;
	s0 =	simm.s32 @!p1 $0x0  }
0x14: {  	s2 =	sld [smem:$0x3F8C];
	s0 =	simm.s32 @p1 $0x1  }
0x15: {  	[smem:$0x3FA9] =	sst s0;
	s0 =	simm.s32 @!p2 $0x0  }
0x16: {  	s3 =	sld [smem:$0x3FDB];
	s0 =	simm.s32 @p2 $0x1  }
0x17: {  	s4 =	simm.s32 $0x1BF5;
	[smem:$0x3FAB] =	sst s0  }
0x18: {  	s0 =	sld [smem:$0x3F8E];
	_ =	swait.ge [sflag:s4], $0x0  }
0x19: {  	s7 =	sld [smem:$0x3F8F]  }
0x1a: {  	s8 =	sadd.s32 $0xFFFFE003, lr  }
0x1b: {  	s9 =	sadd.s32 $0xFFFFFEF7, lr;
	s5 =	simm.s32 $0xFFFFFFFF;
	p2 =	slt.u32 s8, $0xFFFFF086  }
0x1c: {  	p1 =	slt.u32 s9, $0xF7A;
	s5 =	simm.s32 @!p2 $0x0  }
0x1d: {  	s5 =	simm.s32 @p1 $0x1;
	p0 =	seq.s32 s7, s2  }
0x1e: {  	s7 =	smul.u32 @!p0 $0xF7A, s2;
	p2 =	seq.s32 @!p0 s5, $0x0  }
0x1f: {  	s9 =	smul.u32 $0xF7A, s1;
	s8 =	simm.s32 @!p0 $0x1BF5;
	p2 =	por !p2, p0  }
0x20: {  	[sflag:s8] =	ssyncset.s32 @!p0 $0xFFFFF086;
	s6 =	sadd.s32 @!p0 s3, s7;
	s7 =	simm.s32 @!p0 $0x108  }
0x21: {  	s3 =	sadd.s32 s3, s9;
	s6 =	sadd.s32 @!p0 $0x88, s6;
	s7 =	simm.s32 @p2 $0x1082  }
0x22: {  	[simem:s7], [sflag:s8] =	dma.local @!p0 [hbm:s6], $0xF7A  }
0x23: {  	s9 =	sor.u32 $0xD0000000, s2;
	s6 =	simm.s32 $0x108;
	_ =	swait.ge @!p0 [sflag:s8], $0x0  }
0x24: {  	s3 =	sadd.s32 $0x88, s3;
	s6 =	simm.s32 @!p1 $0x1082;
	[sflag:s4] =	ssyncset.s32 $0xFFFFF086  }
0x25: {  	[simem:s6], [sflag:s4] =	dma.local [hbm:s3], $0xF7A  }
0x26: {  	[smem:$0x3F8F] =	sst s1;
	(tag) =	ssettag s2;
	_ =	strace s9  }
0x27: {  	s1 =	sld [smem:$0x3F9F]  }
0x28: {  	s2 =	sld [smem:$0x3FA0]  }
0x29: {  	s4 =	sld [smem:$0x3FA2]  }
0x2a: {  	p0 =	seq.s32 s5, $0x0;
	s5 =	sld [smem:$0x3FA3]  }
0x2b: {  	s6 =	sld [smem:$0x3FA4]  }
0x2c: {  	s7 =	sld [smem:$0x3FA5]  }
0x2d: {  	s3 =	simm.s32 $0x108;
	s8 =	sld [smem:$0x3FA6]  }
0x2e: {  	s3 =	simm.s32 @!p0 $0x1082;
	s9 =	sld [smem:$0x3FA7]  }
0x2f: {  	lr =	sadd.s32 s0, s3;
	s0 =	sld [smem:$0x3F9E]  }
0x30: {  	s3 =	sld [smem:$0x3FA1]  }
0x31: {  	[smem:$0x3FAA] =	sst s10  }
0x32: {  	s10 =	sld [smem:$0x3FA8];
	_ =	sdelay $0x3  }
0x33: {  	p0 =	seq.s32 s10, $0x1;
	s10 =	sld [smem:$0x3FAA];
	_ =	sdelay $0x3  }
0x34: {  	[smem:$0x3FAA] =	sst s10  }
0x35: {  	s10 =	sld [smem:$0x3FA9];
	_ =	sdelay $0x3  }
0x36: {  	p1 =	seq.s32 s10, $0x1;
	s10 =	sld [smem:$0x3FAA];
	_ =	sdelay $0x3  }
0x37: {  	[smem:$0x3FAA] =	sst s10  }
0x38: {  	s10 =	sld [smem:$0x3FAB]  }
0x39: {  	_ = 	snop;
	(pc) =	sbr.ind lr, $3  }
0x3a: {  	_ = 	snop  }
0x3b: {  	_ = 	snop  }
0x3c: {  	p2 =	seq.s32 s10, $0x1;
	s10 =	sld [smem:$0x3FAA]  }
0x3d: {  	_ =	shalt  }
0x3e: {  	_ =	shalt  }
0x3f: {  	_ =	shalt  }
0x40: {  	_ =	shalt  }
0x41: {  	_ =	shalt  }
0x42: {  	_ =	shalt  }
0x43: {  	_ =	shalt  }
0x44: {  	_ =	shalt  }
0x45: {  	_ =	shalt  }
0x46: {  	_ =	shalt  }
0x47: {  	_ =	shalt  }
0x48: {  	_ =	shalt  }
0x49: {  	_ =	shalt  }
0x4a: {  	_ =	shalt  }
0x4b: {  	_ =	shalt  }
0x4c: {  	_ =	shalt  }
0x4d: {  	_ =	shalt  }
0x4e: {  	_ =	shalt  }
0x4f: {  	_ =	shalt  }
0x50: {  	_ =	shalt  }
0x51: {  	_ =	shalt  }
0x52: {  	_ =	shalt  }
0x53: {  	_ =	shalt  }
0x54: {  	_ =	shalt  }
0x55: {  	_ =	shalt  }
0x56: {  	_ =	shalt  }
0x57: {  	_ =	shalt  }
0x58: {  	_ =	shalt  }
0x59: {  	_ =	shalt  }
0x5a: {  	_ =	shalt  }
0x5b: {  	_ =	shalt  }
0x5c: {  	_ =	shalt  }
0x5d: {  	_ =	shalt  }
0x5e: {  	_ =	shalt  }
0x5f: {  	_ =	shalt  }
0x60: {  	_ =	shalt  }
0x61: {  	_ =	shalt  }
0x62: {  	_ =	shalt  }
0x63: {  	_ =	shalt  }
0x64: {  	_ =	shalt  }
0x65: {  	_ =	shalt  }
0x66: {  	_ =	shalt  }
0x67: {  	_ =	shalt  }
0x68: {  	_ =	shalt  }
0x69: {  	_ =	shalt  }
0x6a: {  	_ =	shalt  }
0x6b: {  	_ =	shalt  }
0x6c: {  	_ =	shalt  }
0x6d: {  	_ =	shalt  }
0x6e: {  	_ =	shalt  }
0x6f: {  	_ =	shalt  }
0x70: {  	_ =	shalt  }
0x71: {  	_ =	shalt  }
0x72: {  	_ =	shalt  }
0x73: {  	_ =	shalt  }
0x74: {  	_ =	shalt  }
0x75: {  	_ =	shalt  }
0x76: {  	_ =	shalt  }
0x77: {  	_ =	shalt  }
0x78: {  	_ =	shalt  }
0x79: {  	_ =	shalt  }
0x7a: {  	_ =	shalt  }
0x7b: {  	_ =	shalt  }
0x7c: {  	_ =	shalt  }
0x7d: {  	_ =	shalt  }
0x7e: {  	_ =	shalt  }
0x7f: {  	_ =	shalt  }
0x80: {  	_ =	shalt  }
0x81: {  	_ =	shalt  }
0x82: {  	_ =	shalt  }
0x83: {  	_ =	shalt  }
0x84: {  	_ =	shalt  }
0x85: {  	_ =	shalt  }
0x86: {  	_ =	shalt  }
0x87: {  	_ =	shalt  }
.Lfunc_end0:
.L_simem_size_0:
called_computation_lowered:
.L_overlay_start_0:
0x88: {  	s2 =	sld [smem:$0x3FD9]  }
0x89: {  	s3 =	sld [smem:$0x3FFE];
	_ =	sdelay $0x1  }
0x8a: {  	s1 =	srdreg.scid  }
0x8b: {  	s0 =	sand.u32 $0x1, s1  }
0x8c: {  	s14 =	sshll.u32 s0, $0xA;
	s2 =	sadd.s32 s3, s2  }
0x8d: {  	s2 =	sadd.s32 s2, s14  }
0x8e: {  	[smem:$0x3FB6] =	sst s2  }
0x8f: {  	_ = 	snop  }
0x90: {  	s2 =	sld [smem:$0x3FD0];
	_ =	sdelay $0x2  }
0x91: {  	s15 =	simm.s32 $0xA;
	s4 =	simm.s32 $0x10  }
0x92: {  	[smem:s4], [sflag:s15] =	dma.local [hbm:s2], $0x1  }
0x93: {  	_ =	swait.eq [sflag:s15], $0x1  }
0x94: {  	[sflag:s15] =	ssyncset.done $0x0  }
0x95: {  	[sflag:s15] =	ssyncadd.s32 $0xFFFFFFFF  }
0x96: {  	s16 =	sld [smem:$0x12];
	(tm) =	ssettm $0x1  }
0x97: {  	s17 =	sld [smem:$0x3FFB];
	_ =	sdelay $0x3  }
0x98: {  	_ =	strace s17  }
0x99: {  	s3 =	sld [smem:$0x3FFC];
	_ =	sdelay $0x3  }
0x9a: {  	_ =	strace s3  }
0x9b: {  	s3 =	sld [smem:$0x3FFD];
	_ =	sdelay $0x3  }
0x9c: {  	_ =	strace s3  }
0x9d: {  	_ =	strace $0x8FFFFFFF  }
0x9e: {  	s18 =	sld [smem:$0x3FDB];
	_ =	sdelay $0x1  }
0x9f: {  	s19 =	simm.s32 $_scs_section_size  }
0xa0: {  	s5 =	simm.s32 $_size__tile_overlayer_lowered;
	s6 =	simm.s32 $_tile_overlayer_lowered  }
0xa1: {  	s22 =	simm.s32 $0x1BFF;
	s21 =	sshll.u32 s6, $0x1;
	s3 =	sadd.s32 s19, s18  }
0xa2: {  	s7 =	simm.s32 $0x0;
	s20 =	sshll.u32 s5, $0x1;
	s5 =	sadd.s32 s21, s3  }
0xa3: {  	[timem:s7], [sflag:s22] =	dma.local [hbm:s5], s20  }
0xa4: {  	_ =	swait.ge [sflag:s22], s20  }
0xa5: {  	s4 =	ssub.s32 $0x0, s20;
	[sflag:s22] =	ssyncset.done $0x0  }
0xa6: {  	[sflag:s22] =	ssyncadd.s32 s4;
	_ =	sdelay $0x1  }
0xa7: {  	s23 =	simm.s32 $0x1B8B  }
0xa8: {  	_ =	swait.ge [sflag:s23], $0x1  }
0xa9: {  	[sflag:s23] =	ssyncset.done $0x0  }
0xaa: {  	s25 =	simm.s32 $0x1B8E;
	s24 =	sld [smem:$0x3FFE];
	[sflag:s23] =	ssyncadd.s32 $0xFFFFFFFF  }
0xab: {  	s26 =	simm.s32 $execute0_lowered;
	[smem:$0x3FD2] =	sst s25  }
0xac: {  	s5 =	sshll.u32 s26, $0x1;
	_ =	strace $0x80000046;
	[dreg:$0x1] =	wrdreg $0xFFFFFFFF  }
0xad: {  	s28 =	simm.s32 $_size_execute0_lowered;
	s3 =	sadd.s32 s3, s5;
	[dreg:$0x0] =	wrdreg $0x0  }
0xae: {  	s5 =	sshll.u32 s28, $0x1;
	[dreg:$0x2] =	wrdreg s3  }
0xaf: {  	[dreg:$0x3] =	wrdreg s5  }
0xb0: {  	[dreg:$0x4] =	wrdreg $0xC0  }
0xb1: {  	_ =	task [dreg:s7], $0x5FFFF  }
0xb2: {  	[dreg:$0x1] =	wrdreg $0xFFFFFFFF  }
0xb3: {  	[dreg:$0x0] =	wrdreg $0x60  }
0xb4: {  	[dreg:$0x2] =	wrdreg s24  }
0xb5: {  	[dreg:$0x3] =	wrdreg s16  }
0xb6: {  	[dreg:$0x4] =	wrdreg $0x9  }
0xb7: {  	_ =	task.clear_ibuf [dreg:s7], $0x5FFFF;
	_ =	strace $0x90000046  }
0xb8: {  	s29 =	simm.s32 $0x9;
	_ =	strace $0x80000048  }
0xb9: {  	_ =	swait.ge [sflag:s29], $0x1  }
0xba: {  	[sflag:s29] =	ssyncadd.s32 $0xFFFFFFFF  }
0xbb: {  	_ =	strace $0x90000048  }
0xbc: {  	_ =	sfence  }
0xbd: {  	s30 =	sld [smem:$0x0];
	_ =	sdelay $0x2  }
0xbe: {  	s31 =	sshll.u32 s1, $0xD;
	s1 =	sshrl.u32 s1, $0x2  }
0xbf: {  	s3 =	sand.u32 $0x4000, s31;
	s1 =	sadd.s32 s1, s30  }
0xc0: {  	s0 =	sor.u32 s3, s0;
	s1 =	sshll.u32 s1, $0x11  }
0xc1: {  	s0 =	sor.u32 s1, s0  }
0xc2: {  	s0 =	sadd.s32 $0x8F2B, s0  }
0xc3: {  	[sflag:s0] =	ssyncadd.remote.s32 $0x1  }
0xc4: {  	_ =	sfence.sel $0xFFFF  }
0xc5: {  	[dreg:$0x0] =	wrdreg $0xFFFFFFFF;
	(pc) =	sbr.abs _section_cstart, $3  }
0xc6: {  	[dreg:$0x1] =	wrdreg $0xFFFFFFFF  }
0xc7: {  	_ =	task.clear_ibuf [dreg:s7], $0x2FFFF;
	_ =	strace $0x9FFFFFFF  }
0xc8: {  	(tm) =	ssettm $0x7FFFFFFF  }
0xc9: {  	_ =	shalt  }
tec
execute0_lowered:
.L_overlay_start_1:
0x0: {  	(tag) =	ssettag $0x1  }
0x1: {  	s4 =	rddreg [dreg:$0x0]  }
0x2: {  	s3 =	srdreg.scid;
	s1 =	stileid.u32  }
0x3: {  	s8 =	rddreg [dreg:$0x1];
	s5 =	sand.u32 $0x1, s3;
	s30 =	sshll.u32 s1, $0x1  }
0x4: {  	s0 =	rddreg [dreg:$0x2];
	s2 =	simm.s32 $0x0;
	s6 =	sor.u32 s5, s30  }
0x5: {  	[smem:$0x7FF] =	sst s2;
	s13 =	sshllo.u32 s6, $0x1  }
0x6: {  	p0 =	slt.u32 s1, $0x9;
	s9 =	sadd.s32 $0x2800, s4;
	s15 =	smul.u32 $0x320, s13  }
0x7: {  	s3 =	sshll.u32 s6, $0x1;
	s7 =	sadd.s32 $0x12, s6;
	s31 =	smul.u32 $0x1388, s13  }
0x8: {  	s14 =	sadd.s32 $0xDA00, s4;
	s7 =	smov.u32 @p0 s3;
	s13 =	smul.u32 $0xFFFF62F8, s13  }
0x9: {  	_ =	strace $0x80000047;
	s5 =	ssub.s32 $0x2, s5;
	s10 =	smul.u32 $0x320, s7  }
0xa: {  	s11 =	sshrl.u32 s5, $0x1;
	s3 =	sadd.s32 $0xC600, s4;
	s12 =	smul.u32 $0x1388, s7  }
.Ltmp0:
0xb: {  	s11 =	ssub.s32 s5, s11;
	p0 =	sgt.u32 s1, $0x8;
	(pc) =	sbr.rel .LBB2_1-.Ltmp0, $4  }
0xc: {  	s16 =	smul.u32 $0xFFFF62F8, s7;
	s7 =	sadd.s32 s9, s15;
	v1 =	vmov s13;
	s13 =	simm.s32 $0x1900  }
0xd: {  	s4 =	sadd.s32 s9, s10;
	s5 =	sadd.s32 s8, s10;
	s6 =	sadd.s32 s14, s12  }
0xe: {  	s8 =	sadd.s32 s8, s15;
	s9 =	sadd.s32 s14, s31;
	s10 =	smax.u32 s11, $0x1  }
0xf: {  	v2 =	vimm.f32 $1.000000000e+00;
	s11 =	simm.s32 $0x3200;
	s12 =	simm.s32 $0x1;
	v0 =	vmov s16;
	s14 =	simm.s32 $0x0  }
.LBB2_7:
0x10: {  	s14 =	sadd.s32 $0x1, s14  }
0x11: {  	p1 =	sne.s32 s14, s10  }
.Ltmp1:
0x12: {  	_ = 	snop;
	(pc) =	sbr.rel @!p1 .LBB2_8-.Ltmp1, $1  }
0x13: {  	_ =	sdelay $0x3  }
.LBB2_1:
0x14: {  	[tilespmem:s11], [sflag:$0x1] =	stream.linear.gather [hbm4b:s3+s2], $0x9C80, $0x38;
	[tilespmem:$0xCE80] =	vst v63  }
0x15: {  	_ =	swait.ge [sflag:s12], $0x9C80  }
0x16: {  	[sflag:s12] =	ssyncset.done $0x0  }
0x17: {  	[sflag:s12] =	ssyncadd.s32 $0xFFFF6380  }
0x18: {  	[tilespmem:s2], [sflag:$0x1] =	stream.linear.gather [hbm4b:s4+s2], $0x1900, $0x38;
	[tilespmem:$0xCE80] =	vst v63  }
0x19: {  	_ =	swait.ge [sflag:s12], $0x1900  }
0x1a: {  	[sflag:s12] =	ssyncset.done $0x0  }
0x1b: {  	[sflag:s12] =	ssyncadd.s32 $0xFFFFE700  }
0x1c: {  	[tilespmem:s13], [sflag:$0x1] =	stream.linear.gather [hbm4b:s5+s2], $0x1900, $0x38;
	[tilespmem:$0xCE80] =	vst v63  }
0x1d: {  	_ =	swait.ge [sflag:s12], $0x1900  }
0x1e: {  	s15 =	simm.s32 $0xFFFFFFF8;
	[sflag:s12] =	ssyncset.done $0x0  }
0x1f: {  	s16 =	simm.s32 $0x40;
	s17 =	simm.s32 $0x1940;
	[sflag:s12] =	ssyncadd.s32 $0xFFFFE700  }
.LBB2_2:
0x20: {  	v3 =	vld [tilespmem:s17+$0xFFFFFFC0]  }
0x21: {  	v4 =	vld [tilespmem:s16+$0xFFFFFFC0];
	_ =	sdelay $0x3  }
0x22: {  	v3 =	vmul.u32 $0xC8, v3  }
0x23: {  	v4 =	vadd.s32 v0, v4  }
0x24: {  	v3 =	vadd.s32 v3, v4;
	_ =	sdelay $0x4  }
0x25: {  	[tilespmem:v3+s11+$0x0] =	vst.idx.add.f32.msk $0xffff, v2  }
0x26: {  	v3 =	vld [tilespmem:s17+$0xFFFFFFD0]  }
0x27: {  	v57 =	vld [tilespmem:s16+$0xFFFFFFD0];
	_ =	sdelay $0x3  }
0x28: {  	v3 =	vmul.u32 $0xC8, v3  }
0x29: {  	v4 =	vadd.s32 v0, v57  }
0x2a: {  	v3 =	vadd.s32 v3, v4;
	_ =	sdelay $0x4  }
0x2b: {  	[tilespmem:v3+s11+$0x0] =	vst.idx.add.f32.msk $0xffff, v2  }
0x2c: {  	v3 =	vld [tilespmem:s17+$0xFFFFFFE0]  }
0x2d: {  	v58 =	vld [tilespmem:s16+$0xFFFFFFE0];
	_ =	sdelay $0x3  }
0x2e: {  	v3 =	vmul.u32 $0xC8, v3  }
0x2f: {  	v4 =	vadd.s32 v0, v58  }
0x30: {  	v3 =	vadd.s32 v3, v4;
	_ =	sdelay $0x4  }
0x31: {  	[tilespmem:v3+s11+$0x0] =	vst.idx.add.f32.msk $0xffff, v2  }
0x32: {  	v3 =	vld [tilespmem:s17+$0xFFFFFFF0]  }
0x33: {  	v59 =	vld [tilespmem:s16+$0xFFFFFFF0];
	_ =	sdelay $0x3  }
0x34: {  	v3 =	vmul.u32 $0xC8, v3  }
0x35: {  	v4 =	vadd.s32 v0, v59  }
0x36: {  	v3 =	vadd.s32 v3, v4;
	_ =	sdelay $0x4  }
0x37: {  	[tilespmem:v3+s11+$0x0] =	vst.idx.add.f32.msk $0xffff, v2  }
0x38: {  	v3 =	vld [tilespmem:s17+$0x0]  }
0x39: {  	v60 =	vld [tilespmem:s16+$0x0];
	_ =	sdelay $0x3  }
0x3a: {  	v3 =	vmul.u32 $0xC8, v3  }
0x3b: {  	v4 =	vadd.s32 v0, v60  }
0x3c: {  	v3 =	vadd.s32 v3, v4;
	_ =	sdelay $0x4  }
0x3d: {  	[tilespmem:v3+s11+$0x0] =	vst.idx.add.f32.msk $0xffff, v2  }
0x3e: {  	v3 =	vld [tilespmem:s17+$0x10]  }
0x3f: {  	v61 =	vld [tilespmem:s16+$0x10];
	_ =	sdelay $0x3  }
0x40: {  	v3 =	vmul.u32 $0xC8, v3  }
0x41: {  	v4 =	vadd.s32 v0, v61  }
0x42: {  	v3 =	vadd.s32 v3, v4;
	_ =	sdelay $0x4  }
0x43: {  	[tilespmem:v3+s11+$0x0] =	vst.idx.add.f32.msk $0xffff, v2  }
0x44: {  	v3 =	vld [tilespmem:s17+$0x20]  }
0x45: {  	v62 =	vld [tilespmem:s16+$0x20];
	_ =	sdelay $0x3  }
0x46: {  	v3 =	vmul.u32 $0xC8, v3  }
0x47: {  	v4 =	vadd.s32 v0, v62  }
0x48: {  	v3 =	vadd.s32 v3, v4;
	_ =	sdelay $0x4  }
0x49: {  	[tilespmem:v3+s11+$0x0] =	vst.idx.add.f32.msk $0xffff, v2  }
0x4a: {  	v3 =	vld [tilespmem:s17+$0x30]  }
0x4b: {  	v63 =	vld [tilespmem:s16+$0x30];
	_ =	sdelay $0x3  }
0x4c: {  	v3 =	vmul.u32 $0xC8, v3  }
0x4d: {  	s15 =	sadd.s32 $0x8, s15;
	v4 =	vadd.s32 v0, v63  }
0x4e: {  	p1 =	slt.u32 s15, $0x188;
	v3 =	vadd.s32 v3, v4  }
.Ltmp2:
0x4f: {  	_ = 	snop;
	(pc) =	sbr.rel @p1 .LBB2_2-.Ltmp2, $2  }
0x50: {  	_ =	sdelay $0x2  }
0x51: {  	s16 =	sadd.s32 $0x80, s16;
	s17 =	sadd.s32 $0x80, s17;
	[tilespmem:v3+s11+$0x0] =	vst.idx.add.f32.msk $0xffff, v2  }
.Ltmp3:
0x52: {  	(pc) =	sbr.rel @p0 .LBB2_7-.Ltmp3, $4  }
0x53: {  	[hbm4b:s6+s2] =	stream.linear.scatter [tilespmem:s11], [sflag:$0x1], $0x9C40, $0x38;
	[tilespmem:$0xCE80] =	vst v63  }
0x54: {  	_ =	swait.ge [sflag:s12], $0x9C40  }
0x55: {  	[sflag:s12] =	ssyncset.done $0x0  }
0x56: {  	[sflag:s12] =	ssyncadd.s32 $0xFFFF63C0  }
0x57: {  	[tilespmem:s11], [sflag:$0x1] =	stream.linear.gather [hbm4b:s3+s2], $0x9C80, $0x38;
	[tilespmem:$0xCE80] =	vst v63  }
0x58: {  	_ =	swait.ge [sflag:s12], $0x9C80  }
0x59: {  	[sflag:s12] =	ssyncset.done $0x0  }
0x5a: {  	[sflag:s12] =	ssyncadd.s32 $0xFFFF6380  }
0x5b: {  	[tilespmem:s2], [sflag:$0x1] =	stream.linear.gather [hbm4b:s7+s2], $0x1900, $0x38;
	[tilespmem:$0xCE80] =	vst v63  }
0x5c: {  	_ =	swait.ge [sflag:s12], $0x1900  }
0x5d: {  	[sflag:s12] =	ssyncset.done $0x0  }
0x5e: {  	[sflag:s12] =	ssyncadd.s32 $0xFFFFE700  }
0x5f: {  	[tilespmem:s13], [sflag:$0x1] =	stream.linear.gather [hbm4b:s8+s2], $0x1900, $0x38;
	[tilespmem:$0xCE80] =	vst v63  }
0x60: {  	_ =	swait.ge [sflag:s12], $0x1900  }
0x61: {  	s15 =	simm.s32 $0xFFFFFFF8;
	[sflag:s12] =	ssyncset.done $0x0  }
0x62: {  	s16 =	simm.s32 $0x40;
	s17 =	simm.s32 $0x1940;
	[sflag:s12] =	ssyncadd.s32 $0xFFFFE700  }
.LBB2_5:
0x63: {  	v3 =	vld [tilespmem:s17+$0xFFFFFFC0]  }
0x64: {  	v4 =	vld [tilespmem:s16+$0xFFFFFFC0];
	_ =	sdelay $0x3  }
0x65: {  	v3 =	vmul.u32 $0xC8, v3  }
0x66: {  	v4 =	vadd.s32 v1, v4  }
0x67: {  	v3 =	vadd.s32 v3, v4;
	_ =	sdelay $0x4  }
0x68: {  	[tilespmem:v3+s11+$0x0] =	vst.idx.add.f32.msk $0xffff, v2  }
0x69: {  	v3 =	vld [tilespmem:s17+$0xFFFFFFD0]  }
0x6a: {  	v57 =	vld [tilespmem:s16+$0xFFFFFFD0];
	_ =	sdelay $0x3  }
0x6b: {  	v3 =	vmul.u32 $0xC8, v3  }
0x6c: {  	v4 =	vadd.s32 v1, v57  }
0x6d: {  	v3 =	vadd.s32 v3, v4;
	_ =	sdelay $0x4  }
0x6e: {  	[tilespmem:v3+s11+$0x0] =	vst.idx.add.f32.msk $0xffff, v2  }
0x6f: {  	v3 =	vld [tilespmem:s17+$0xFFFFFFE0]  }
0x70: {  	v58 =	vld [tilespmem:s16+$0xFFFFFFE0];
	_ =	sdelay $0x3  }
0x71: {  	v3 =	vmul.u32 $0xC8, v3  }
0x72: {  	v4 =	vadd.s32 v1, v58  }
0x73: {  	v3 =	vadd.s32 v3, v4;
	_ =	sdelay $0x4  }
0x74: {  	[tilespmem:v3+s11+$0x0] =	vst.idx.add.f32.msk $0xffff, v2  }
0x75: {  	v3 =	vld [tilespmem:s17+$0xFFFFFFF0]  }
0x76: {  	v59 =	vld [tilespmem:s16+$0xFFFFFFF0];
	_ =	sdelay $0x3  }
0x77: {  	v3 =	vmul.u32 $0xC8, v3  }
0x78: {  	v4 =	vadd.s32 v1, v59  }
0x79: {  	v3 =	vadd.s32 v3, v4;
	_ =	sdelay $0x4  }
0x7a: {  	[tilespmem:v3+s11+$0x0] =	vst.idx.add.f32.msk $0xffff, v2  }
0x7b: {  	v3 =	vld [tilespmem:s17+$0x0]  }
0x7c: {  	v60 =	vld [tilespmem:s16+$0x0];
	_ =	sdelay $0x3  }
0x7d: {  	v3 =	vmul.u32 $0xC8, v3  }
0x7e: {  	v4 =	vadd.s32 v1, v60  }
0x7f: {  	v3 =	vadd.s32 v3, v4;
	_ =	sdelay $0x4  }
0x80: {  	[tilespmem:v3+s11+$0x0] =	vst.idx.add.f32.msk $0xffff, v2  }
0x81: {  	v3 =	vld [tilespmem:s17+$0x10]  }
0x82: {  	v61 =	vld [tilespmem:s16+$0x10];
	_ =	sdelay $0x3  }
0x83: {  	v3 =	vmul.u32 $0xC8, v3  }
0x84: {  	v4 =	vadd.s32 v1, v61  }
0x85: {  	v3 =	vadd.s32 v3, v4;
	_ =	sdelay $0x4  }
0x86: {  	[tilespmem:v3+s11+$0x0] =	vst.idx.add.f32.msk $0xffff, v2  }
0x87: {  	v3 =	vld [tilespmem:s17+$0x20]  }
0x88: {  	v62 =	vld [tilespmem:s16+$0x20];
	_ =	sdelay $0x3  }
0x89: {  	v3 =	vmul.u32 $0xC8, v3  }
0x8a: {  	v4 =	vadd.s32 v1, v62  }
0x8b: {  	v3 =	vadd.s32 v3, v4;
	_ =	sdelay $0x4  }
0x8c: {  	[tilespmem:v3+s11+$0x0] =	vst.idx.add.f32.msk $0xffff, v2  }
0x8d: {  	v3 =	vld [tilespmem:s17+$0x30]  }
0x8e: {  	v63 =	vld [tilespmem:s16+$0x30];
	_ =	sdelay $0x3  }
0x8f: {  	v3 =	vmul.u32 $0xC8, v3  }
0x90: {  	s15 =	sadd.s32 $0x8, s15;
	v4 =	vadd.s32 v1, v63  }
0x91: {  	p1 =	slt.u32 s15, $0x188;
	v3 =	vadd.s32 v3, v4  }
.Ltmp4:
0x92: {  	_ = 	snop;
	(pc) =	sbr.rel @p1 .LBB2_5-.Ltmp4, $2  }
0x93: {  	_ =	sdelay $0x2  }
0x94: {  	s16 =	sadd.s32 $0x80, s16;
	s17 =	sadd.s32 $0x80, s17;
	[tilespmem:v3+s11+$0x0] =	vst.idx.add.f32.msk $0xffff, v2  }
.Ltmp5:
0x95: {  	(pc) =	sbr.rel .LBB2_7-.Ltmp5, $4  }
0x96: {  	[hbm4b:s9+s2] =	stream.linear.scatter [tilespmem:s11], [sflag:$0x1], $0x9C40, $0x38;
	[tilespmem:$0xCE80] =	vst v63  }
0x97: {  	_ =	swait.ge [sflag:s12], $0x9C40  }
0x98: {  	[sflag:s12] =	ssyncset.done $0x0  }
0x99: {  	[sflag:s12] =	ssyncadd.s32 $0xFFFF63C0  }
.LBB2_8:
0x9a: {  	_ =	sfence.sel $0x180000  }
0x9b: {  	[bflag:$0x0] =	sbarrier.arrive $0xFFFF  }
0x9c: {  	p0 =	sne.s32 s1, $0x0;
	_ =	strace $0x90000047  }
0x9d: {  	s0 =	sadd.s32 @!p0 $0x100000, s0;
	[bflag:$0x2] =	sbarrier.arrive $0xFFFF  }
0x9e: {  	[sflag:s0] =	ssyncadd.tile.s32 @!p0 $0x1;
	_ =	shalt  }
.Lfunc_end2:
_tile_overlayer_lowered:
.L_overlay_start_2:
0x9f: {  	(tag) =	ssettag $0x2  }
0xa0: {  	s0 =	rddreg [dreg:$0x0];
	s2 =	stileid.u32  }
0xa1: {  	s1 =	rddreg [dreg:$0x1];
	p0 =	sne.s32 s2, $0x0  }
0xa2: {  	s3 =	rddreg [dreg:$0x2];
	[bflag:$0x3] =	sbarrier.arrive $0xFFFF;
	s2 =	simm.s32 @!p0 $0x1C01  }
0xa3: {  	[timem:s3], [sflag:s2] =	dma.local @!p0 [hbm:s0], s1  }
0xa4: {  	s0 =	simm.s32 @!p0 $0x1  }
0xa5: {  	_ =	swait.ge @!p0 [sflag:s0], s1  }
0xa6: {  	s1 =	ssub.s32 @!p0 $0x0, s1;
	[sflag:s0] =	ssyncset.done @!p0 $0x0  }
0xa7: {  	[sflag:s0] =	ssyncadd.s32 @!p0 s1  }
0xa8: {  	[bflag:$0x3] =	sbarrier.arrive $0xFFFF  }
0xa9: {  	_ =	shalt  }

</sc_bundles>
